<compile_context>
chip_gen: v7x
topology: tpu7x:2x2x1
jax: 0.10.2.dev20260603
libtpu: 0.0.44.dev20260713+nightly
codegen_flags: <defaults>
</compile_context>

<pallas_src>
import functools

import jax
import jax.numpy as jnp
from jax import lax
from jax.experimental import pallas as pl
from jax.experimental.pallas import tpu as pltpu
from jax.experimental.pallas import tpu_sc as plsc

_DIM = 64
_B = 4096
_H = 50
_TOTAL = _B * _H
_NW = 32
_PER_W = _TOTAL // _NW
_CHUNK = 800
_NCHUNK = _PER_W // _CHUNK

_mesh = plsc.VectorSubcoreMesh(core_axis_name="c", subcore_axis_name="s")


@functools.partial(
    pl.kernel,
    mesh=_mesh,
    out_type=jax.ShapeDtypeStruct((_TOTAL, _DIM), jnp.float32),
    compiler_params=pltpu.CompilerParams(
        use_tc_tiling_on_sc=False, skip_device_barrier=True
    ),
    scratch_types=[
        pltpu.VMEM((_PER_W,), jnp.int32),
        pltpu.VMEM((2, _CHUNK, _DIM), jnp.float32),
        pltpu.SemaphoreType.DMA,
        pltpu.SemaphoreType.DMA,
        pltpu.SemaphoreType.DMA,
        pltpu.SemaphoreType.DMA,
    ],
)
def _gather(idx_hbm, table_hbm, out_hbm, idx_v, rows_v, g0, g1, s0, s1):
    gsem = (g0, g1)
    ssem = (s0, s1)
    wid = lax.axis_index("s") * 2 + lax.axis_index("c")
    base = wid * _PER_W
    pltpu.sync_copy(idx_hbm.at[pl.ds(base, _PER_W)], idx_v)

    def start_gather(c):
        b = c % 2
        pltpu.async_copy(
            table_hbm.at[idx_v.at[pl.ds(c * _CHUNK, _CHUNK)]],
            rows_v.at[b],
            gsem[b],
        )

    def wait_gather(c):
        b = c % 2
        pltpu.make_async_copy(
            table_hbm.at[idx_v.at[pl.ds(c * _CHUNK, _CHUNK)]],
            rows_v.at[b],
            gsem[b],
        ).wait()

    def start_store(c):
        b = c % 2
        pltpu.async_copy(
            rows_v.at[b], out_hbm.at[pl.ds(base + c * _CHUNK, _CHUNK)], ssem[b]
        )

    def wait_store(c):
        b = c % 2
        pltpu.make_async_copy(
            rows_v.at[b], out_hbm.at[pl.ds(base + c * _CHUNK, _CHUNK)], ssem[b]
        ).wait()

    start_gather(0)
    for c in range(1, _NCHUNK):
        if c >= 2:
            wait_store(c - 2)
        start_gather(c)
        wait_gather(c - 1)
        start_store(c - 1)
    wait_gather(_NCHUNK - 1)
    start_store(_NCHUNK - 1)
    wait_store(_NCHUNK - 2)
    wait_store(_NCHUNK - 1)


def kernel(model_input, table):
    idx = model_input.T.reshape(-1).astype(jnp.int32)
    out = _gather(idx, table)
    return out.reshape(_H, _B, _DIM).transpose(1, 0, 2)

# --- scband reference (transcript-rebuilt; emitter-appended) ---
"""Pipeline reference for scband-pretrained-embeddings-module-88167088652839 (READ-ONLY COPY).

The authoritative reference and input builder live on the scoring server;
editing this copy changes nothing except your own understanding.
"""

import jax, jax.numpy as jnp
import numpy as np

NUM_EMBEDDINGS = 1000000
EMBEDDING_DIM = 64
BATCH = 4096
HIST = 50

def setup_inputs(seed: int = 0) -> dict:
    key = jax.random.key(seed)
    k_idx, k_tab = jax.random.split(key)
    model_input = jax.random.randint(k_idx, (BATCH, HIST), 0, NUM_EMBEDDINGS, dtype=jnp.int64 if jax.config.jax_enable_x64 else jnp.int32)
    table = jax.random.normal(k_tab, (NUM_EMBEDDINGS, EMBEDDING_DIM), dtype=jnp.float32)
    return {"model_input": model_input, "table": table}

def reference(model_input, table):
    # nn.Embedding forward: row-gather from embedding table
    return jnp.take(table, model_input, axis=0)

if __name__ == "__main__":
    import jax
    _d = setup_inputs()
    print(jax.jit(kernel)(*tuple(_d.values())))

</pallas_src>

<mosaic_0001>
#map = affine_map<(d0, d1) -> (0)>
#map1 = affine_map<(d0, d1) -> (0, 0)>
module attributes {stable_mosaic.version = 14 : i64} {
  func.func @_gather(%arg0: i32, %arg1: i32, %arg2: memref<204800xi32, #tpu.memory_space<hbm>>, %arg3: memref<1000000x64xf32, #tpu.memory_space<hbm>>, %arg4: memref<204800x64xf32, #tpu.memory_space<hbm>>, %arg5: memref<6400xi32, #tpu.memory_space<vmem>>, %arg6: memref<2x800x64xf32, #tpu.memory_space<vmem>>, %arg7: memref<!tpu.dma_semaphore, #tpu.memory_space<semaphore_mem>>, %arg8: memref<!tpu.dma_semaphore, #tpu.memory_space<semaphore_mem>>, %arg9: memref<!tpu.dma_semaphore, #tpu.memory_space<semaphore_mem>>, %arg10: memref<!tpu.dma_semaphore, #tpu.memory_space<semaphore_mem>>) attributes {dimension_semantics = [#tpu.dimension_semantics<core_parallel>, #tpu.dimension_semantics<subcore_parallel>], iteration_bounds = array<i64: 2, 16>, scalar_prefetch = 0 : i64, scratch_operands = 6 : i64, tpu.core_type = #tpu.core_type<sc_vector_subcore>, window_params = [{transform_indices = #map}, {transform_indices = #map1}, {transform_indices = #map1}]} {
    %mul3A = arith.constant 2 : i32
    %mul3A_0 = arith.muli %arg1, %mul3A : i32
    %add3A = arith.addi %mul3A_0, %arg0 : i32
    %mul3A_1 = arith.constant 6400 : i32
    %mul3A_2 = arith.muli %add3A, %mul3A_1 : i32
    "tpu.region"() ({
      %run_scoped3A = tpu.sem_alloc : memref<!tpu.dma_semaphore, #tpu.memory_space<semaphore_mem>>
      %dma_start3A_401 = tpu.memref_slice %arg2[%mul3A_2] : memref<204800xi32, #tpu.memory_space<hbm>> -> memref<6400xi32, #tpu.memory_space<hbm>>
      %dma_start3A_402 = tpu.memref_slice %arg2[%mul3A_2] : memref<204800xi32, #tpu.memory_space<hbm>> -> memref<6400xi32, #tpu.memory_space<hbm>>
      tpu.enqueue_dma source(%dma_start3A_402 : memref<6400xi32, #tpu.memory_space<hbm>>) target(%arg5 : memref<6400xi32, #tpu.memory_space<vmem>>) target_semaphore(%run_scoped3A : memref<!tpu.dma_semaphore, #tpu.memory_space<semaphore_mem>>)
      %dma_wait3A_403 = tpu.memref_slice %arg2[%mul3A_2] : memref<204800xi32, #tpu.memory_space<hbm>> -> memref<6400xi32, #tpu.memory_space<hbm>>
      %dma_wait3A_404 = tpu.memref_slice %arg2[%mul3A_2] : memref<204800xi32, #tpu.memory_space<hbm>> -> memref<6400xi32, #tpu.memory_space<hbm>>
      tpu.wait_dma2 semaphore(%run_scoped3A : memref<!tpu.dma_semaphore, #tpu.memory_space<semaphore_mem>>) src(%dma_wait3A_404 : memref<6400xi32, #tpu.memory_space<hbm>>) dst(%arg5 : memref<6400xi32, #tpu.memory_space<vmem>>)
      tpu.yield
    }) : () -> ()
    %dma_start3A = arith.constant 0 : i32
    %dma_start3A_3 = arith.constant 0 : i32
    %dma_start3A_4 = arith.constant 0 : i32
    %dma_start3A_5 = tpu.memref_slice %arg6[%dma_start3A, %dma_start3A_3, %dma_start3A_4] : memref<2x800x64xf32, #tpu.memory_space<vmem>> -> memref<1x800x64xf32, #tpu.memory_space<vmem>>
    %dma_start3A_6 = tpu.memref_squeeze %dma_start3A_5 : memref<1x800x64xf32, #tpu.memory_space<vmem>> -> memref<800x64xf32, #tpu.memory_space<vmem>>
    %dma_start3A_7 = arith.constant 0 : i32
    %dma_start3A_8 = tpu.memref_slice %arg5[%dma_start3A_7] : memref<6400xi32, #tpu.memory_space<vmem>> -> memref<800xi32, #tpu.memory_space<vmem>>
    %dma_start3A_9 = arith.constant 0 : i32
    %dma_start3A_10 = arith.constant 0 : i32
    %dma_start3A_11 = tpu.memref_slice %arg3[%dma_start3A_9, %dma_start3A_10] : memref<1000000x64xf32, #tpu.memory_space<hbm>> -> memref<1000000x64xf32, #tpu.memory_space<hbm>>
    tpu.enqueue_indirect_dma source(%dma_start3A_11 : memref<1000000x64xf32, #tpu.memory_space<hbm>>) target(%dma_start3A_6 : memref<800x64xf32, #tpu.memory_space<vmem>>) offsets(%dma_start3A_8 : memref<800xi32, #tpu.memory_space<vmem>>) semaphore(%arg7 : memref<!tpu.dma_semaphore, #tpu.memory_space<semaphore_mem>>)
    %dma_start3A_12 = arith.constant 1 : i32
    %dma_start3A_13 = arith.constant 0 : i32
    %dma_start3A_14 = arith.constant 0 : i32
    %dma_start3A_15 = tpu.memref_slice %arg6[%dma_start3A_12, %dma_start3A_13, %dma_start3A_14] : memref<2x800x64xf32, #tpu.memory_space<vmem>> -> memref<1x800x64xf32, #tpu.memory_space<vmem>>
    %dma_start3A_16 = tpu.memref_squeeze %dma_start3A_15 : memref<1x800x64xf32, #tpu.memory_space<vmem>> -> memref<800x64xf32, #tpu.memory_space<vmem>>
    %dma_start3A_17 = arith.constant 800 : i32
    %dma_start3A_18 = tpu.memref_slice %arg5[%dma_start3A_17] : memref<6400xi32, #tpu.memory_space<vmem>> -> memref<800xi32, #tpu.memory_space<vmem>>
    %dma_start3A_19 = arith.constant 0 : i32
    %dma_start3A_20 = arith.constant 0 : i32
    %dma_start3A_21 = tpu.memref_slice %arg3[%dma_start3A_19, %dma_start3A_20] : memref<1000000x64xf32, #tpu.memory_space<hbm>> -> memref<1000000x64xf32, #tpu.memory_space<hbm>>
    tpu.enqueue_indirect_dma source(%dma_start3A_21 : memref<1000000x64xf32, #tpu.memory_space<hbm>>) target(%dma_start3A_16 : memref<800x64xf32, #tpu.memory_space<vmem>>) offsets(%dma_start3A_18 : memref<800xi32, #tpu.memory_space<vmem>>) semaphore(%arg8 : memref<!tpu.dma_semaphore, #tpu.memory_space<semaphore_mem>>)
    %dma_wait3A = arith.constant 0 : i32
    %dma_wait3A_22 = arith.constant 0 : i32
    %dma_wait3A_23 = arith.constant 0 : i32
    %dma_wait3A_24 = tpu.memref_slice %arg6[%dma_wait3A, %dma_wait3A_22, %dma_wait3A_23] : memref<2x800x64xf32, #tpu.memory_space<vmem>> -> memref<1x800x64xf32, #tpu.memory_space<vmem>>
    %dma_wait3A_25 = tpu.memref_squeeze %dma_wait3A_24 : memref<1x800x64xf32, #tpu.memory_space<vmem>> -> memref<800x64xf32, #tpu.memory_space<vmem>>
    %dma_wait3A_26 = arith.constant 0 : i32
    %dma_wait3A_27 = tpu.memref_slice %arg5[%dma_wait3A_26] : memref<6400xi32, #tpu.memory_space<vmem>> -> memref<800xi32, #tpu.memory_space<vmem>>
    %dma_wait3A_28 = arith.constant 0 : i32
    %dma_wait3A_29 = arith.constant 0 : i32
    %dma_wait3A_30 = tpu.memref_slice %arg3[%dma_wait3A_28, %dma_wait3A_29] : memref<1000000x64xf32, #tpu.memory_space<hbm>> -> memref<1000000x64xf32, #tpu.memory_space<hbm>>
    tpu.wait_indirect_dma semaphore(%arg7 : memref<!tpu.dma_semaphore, #tpu.memory_space<semaphore_mem>>) src(%dma_wait3A_30 : memref<1000000x64xf32, #tpu.memory_space<hbm>>) dst(%dma_wait3A_25 : memref<800x64xf32, #tpu.memory_space<vmem>>)
    %add3A_31 = arith.constant 0 : i32
    %add3A_32 = arith.addi %mul3A_2, %add3A_31 : i32
    %dma_start3A_33 = arith.constant 0 : i32
    %dma_start3A_34 = arith.constant 0 : i32
    %dma_start3A_35 = arith.constant 0 : i32
    %dma_start3A_36 = tpu.memref_slice %arg6[%dma_start3A_33, %dma_start3A_34, %dma_start3A_35] : memref<2x800x64xf32, #tpu.memory_space<vmem>> -> memref<1x800x64xf32, #tpu.memory_space<vmem>>
    %dma_start3A_37 = tpu.memref_squeeze %dma_start3A_36 : memref<1x800x64xf32, #tpu.memory_space<vmem>> -> memref<800x64xf32, #tpu.memory_space<vmem>>
    %dma_start3A_38 = arith.constant 0 : i32
    %dma_start3A_39 = tpu.memref_slice %arg4[%add3A_32, %dma_start3A_38] : memref<204800x64xf32, #tpu.memory_space<hbm>> -> memref<800x64xf32, #tpu.memory_space<hbm>>
    %dma_start3A_40 = arith.constant 0 : i32
    %dma_start3A_41 = tpu.memref_slice %arg4[%add3A_32, %dma_start3A_40] : memref<204800x64xf32, #tpu.memory_space<hbm>> -> memref<800x64xf32, #tpu.memory_space<hbm>>
    %dma_start3A_42 = arith.constant 0 : i32
    %dma_start3A_43 = arith.constant 0 : i32
    %dma_start3A_44 = tpu.memref_slice %arg6[%dma_start3A_33, %dma_start3A_42, %dma_start3A_43] : memref<2x800x64xf32, #tpu.memory_space<vmem>> -> memref<1x800x64xf32, #tpu.memory_space<vmem>>
    %dma_start3A_45 = tpu.memref_squeeze %dma_start3A_44 : memref<1x800x64xf32, #tpu.memory_space<vmem>> -> memref<800x64xf32, #tpu.memory_space<vmem>>
    tpu.enqueue_dma source(%dma_start3A_45 : memref<800x64xf32, #tpu.memory_space<vmem>>) target(%dma_start3A_41 : memref<800x64xf32, #tpu.memory_space<hbm>>) target_semaphore(%arg9 : memref<!tpu.dma_semaphore, #tpu.memory_space<semaphore_mem>>)
    %add3A_46 = arith.constant 0 : i32
    %add3A_47 = arith.addi %mul3A_2, %add3A_46 : i32
    %dma_wait3A_48 = arith.constant 0 : i32
    %dma_wait3A_49 = arith.constant 0 : i32
    %dma_wait3A_50 = arith.constant 0 : i32
    %dma_wait3A_51 = tpu.memref_slice %arg6[%dma_wait3A_48, %dma_wait3A_49, %dma_wait3A_50] : memref<2x800x64xf32, #tpu.memory_space<vmem>> -> memref<1x800x64xf32, #tpu.memory_space<vmem>>
    %dma_wait3A_52 = tpu.memref_squeeze %dma_wait3A_51 : memref<1x800x64xf32, #tpu.memory_space<vmem>> -> memref<800x64xf32, #tpu.memory_space<vmem>>
    %dma_wait3A_53 = arith.constant 0 : i32
    %dma_wait3A_54 = tpu.memref_slice %arg4[%add3A_47, %dma_wait3A_53] : memref<204800x64xf32, #tpu.memory_space<hbm>> -> memref<800x64xf32, #tpu.memory_space<hbm>>
    %dma_wait3A_55 = arith.constant 0 : i32
    %dma_wait3A_56 = tpu.memref_slice %arg4[%add3A_47, %dma_wait3A_55] : memref<204800x64xf32, #tpu.memory_space<hbm>> -> memref<800x64xf32, #tpu.memory_space<hbm>>
    %dma_wait3A_57 = arith.constant 0 : i32
    %dma_wait3A_58 = arith.constant 0 : i32
    %dma_wait3A_59 = tpu.memref_slice %arg6[%dma_wait3A_48, %dma_wait3A_57, %dma_wait3A_58] : memref<2x800x64xf32, #tpu.memory_space<vmem>> -> memref<1x800x64xf32, #tpu.memory_space<vmem>>
    %dma_wait3A_60 = tpu.memref_squeeze %dma_wait3A_59 : memref<1x800x64xf32, #tpu.memory_space<vmem>> -> memref<800x64xf32, #tpu.memory_space<vmem>>
    tpu.wait_dma2 semaphore(%arg9 : memref<!tpu.dma_semaphore, #tpu.memory_space<semaphore_mem>>) src(%dma_wait3A_60 : memref<800x64xf32, #tpu.memory_space<vmem>>) dst(%dma_wait3A_56 : memref<800x64xf32, #tpu.memory_space<hbm>>)
    %dma_start3A_61 = arith.constant 0 : i32
    %dma_start3A_62 = arith.constant 0 : i32
    %dma_start3A_63 = arith.constant 0 : i32
    %dma_start3A_64 = tpu.memref_slice %arg6[%dma_start3A_61, %dma_start3A_62, %dma_start3A_63] : memref<2x800x64xf32, #tpu.memory_space<vmem>> -> memref<1x800x64xf32, #tpu.memory_space<vmem>>
    %dma_start3A_65 = tpu.memref_squeeze %dma_start3A_64 : memref<1x800x64xf32, #tpu.memory_space<vmem>> -> memref<800x64xf32, #tpu.memory_space<vmem>>
    %dma_start3A_66 = arith.constant 1600 : i32
    %dma_start3A_67 = tpu.memref_slice %arg5[%dma_start3A_66] : memref<6400xi32, #tpu.memory_space<vmem>> -> memref<800xi32, #tpu.memory_space<vmem>>
    %dma_start3A_68 = arith.constant 0 : i32
    %dma_start3A_69 = arith.constant 0 : i32
    %dma_start3A_70 = tpu.memref_slice %arg3[%dma_start3A_68, %dma_start3A_69] : memref<1000000x64xf32, #tpu.memory_space<hbm>> -> memref<1000000x64xf32, #tpu.memory_space<hbm>>
    tpu.enqueue_indirect_dma source(%dma_start3A_70 : memref<1000000x64xf32, #tpu.memory_space<hbm>>) target(%dma_start3A_65 : memref<800x64xf32, #tpu.memory_space<vmem>>) offsets(%dma_start3A_67 : memref<800xi32, #tpu.memory_space<vmem>>) semaphore(%arg7 : memref<!tpu.dma_semaphore, #tpu.memory_space<semaphore_mem>>)
    %dma_wait3A_71 = arith.constant 1 : i32
    %dma_wait3A_72 = arith.constant 0 : i32
    %dma_wait3A_73 = arith.constant 0 : i32
    %dma_wait3A_74 = tpu.memref_slice %arg6[%dma_wait3A_71, %dma_wait3A_72, %dma_wait3A_73] : memref<2x800x64xf32, #tpu.memory_space<vmem>> -> memref<1x800x64xf32, #tpu.memory_space<vmem>>
    %dma_wait3A_75 = tpu.memref_squeeze %dma_wait3A_74 : memref<1x800x64xf32, #tpu.memory_space<vmem>> -> memref<800x64xf32, #tpu.memory_space<vmem>>
    %dma_wait3A_76 = arith.constant 800 : i32
    %dma_wait3A_77 = tpu.memref_slice %arg5[%dma_wait3A_76] : memref<6400xi32, #tpu.memory_space<vmem>> -> memref<800xi32, #tpu.memory_space<vmem>>
    %dma_wait3A_78 = arith.constant 0 : i32
    %dma_wait3A_79 = arith.constant 0 : i32
    %dma_wait3A_80 = tpu.memref_slice %arg3[%dma_wait3A_78, %dma_wait3A_79] : memref<1000000x64xf32, #tpu.memory_space<hbm>> -> memref<1000000x64xf32, #tpu.memory_space<hbm>>
    tpu.wait_indirect_dma semaphore(%arg8 : memref<!tpu.dma_semaphore, #tpu.memory_space<semaphore_mem>>) src(%dma_wait3A_80 : memref<1000000x64xf32, #tpu.memory_space<hbm>>) dst(%dma_wait3A_75 : memref<800x64xf32, #tpu.memory_space<vmem>>)
    %add3A_81 = arith.constant 800 : i32
    %add3A_82 = arith.addi %mul3A_2, %add3A_81 : i32
    %dma_start3A_83 = arith.constant 1 : i32
    %dma_start3A_84 = arith.constant 0 : i32
    %dma_start3A_85 = arith.constant 0 : i32
    %dma_start3A_86 = tpu.memref_slice %arg6[%dma_start3A_83, %dma_start3A_84, %dma_start3A_85] : memref<2x800x64xf32, #tpu.memory_space<vmem>> -> memref<1x800x64xf32, #tpu.memory_space<vmem>>
    %dma_start3A_87 = tpu.memref_squeeze %dma_start3A_86 : memref<1x800x64xf32, #tpu.memory_space<vmem>> -> memref<800x64xf32, #tpu.memory_space<vmem>>
    %dma_start3A_88 = arith.constant 0 : i32
    %dma_start3A_89 = tpu.memref_slice %arg4[%add3A_82, %dma_start3A_88] : memref<204800x64xf32, #tpu.memory_space<hbm>> -> memref<800x64xf32, #tpu.memory_space<hbm>>
    %dma_start3A_90 = arith.constant 0 : i32
    %dma_start3A_91 = tpu.memref_slice %arg4[%add3A_82, %dma_start3A_90] : memref<204800x64xf32, #tpu.memory_space<hbm>> -> memref<800x64xf32, #tpu.memory_space<hbm>>
    %dma_start3A_92 = arith.constant 0 : i32
    %dma_start3A_93 = arith.constant 0 : i32
    %dma_start3A_94 = tpu.memref_slice %arg6[%dma_start3A_83, %dma_start3A_92, %dma_start3A_93] : memref<2x800x64xf32, #tpu.memory_space<vmem>> -> memref<1x800x64xf32, #tpu.memory_space<vmem>>
    %dma_start3A_95 = tpu.memref_squeeze %dma_start3A_94 : memref<1x800x64xf32, #tpu.memory_space<vmem>> -> memref<800x64xf32, #tpu.memory_space<vmem>>
    tpu.enqueue_dma source(%dma_start3A_95 : memref<800x64xf32, #tpu.memory_space<vmem>>) target(%dma_start3A_91 : memref<800x64xf32, #tpu.memory_space<hbm>>) target_semaphore(%arg10 : memref<!tpu.dma_semaphore, #tpu.memory_space<semaphore_mem>>)
    %add3A_96 = arith.constant 800 : i32
    %add3A_97 = arith.addi %mul3A_2, %add3A_96 : i32
    %dma_wait3A_98 = arith.constant 1 : i32
    %dma_wait3A_99 = arith.constant 0 : i32
    %dma_wait3A_100 = arith.constant 0 : i32
    %dma_wait3A_101 = tpu.memref_slice %arg6[%dma_wait3A_98, %dma_wait3A_99, %dma_wait3A_100] : memref<2x800x64xf32, #tpu.memory_space<vmem>> -> memref<1x800x64xf32, #tpu.memory_space<vmem>>
    %dma_wait3A_102 = tpu.memref_squeeze %dma_wait3A_101 : memref<1x800x64xf32, #tpu.memory_space<vmem>> -> memref<800x64xf32, #tpu.memory_space<vmem>>
    %dma_wait3A_103 = arith.constant 0 : i32
    %dma_wait3A_104 = tpu.memref_slice %arg4[%add3A_97, %dma_wait3A_103] : memref<204800x64xf32, #tpu.memory_space<hbm>> -> memref<800x64xf32, #tpu.memory_space<hbm>>
    %dma_wait3A_105 = arith.constant 0 : i32
    %dma_wait3A_106 = tpu.memref_slice %arg4[%add3A_97, %dma_wait3A_105] : memref<204800x64xf32, #tpu.memory_space<hbm>> -> memref<800x64xf32, #tpu.memory_space<hbm>>
    %dma_wait3A_107 = arith.constant 0 : i32
    %dma_wait3A_108 = arith.constant 0 : i32
    %dma_wait3A_109 = tpu.memref_slice %arg6[%dma_wait3A_98, %dma_wait3A_107, %dma_wait3A_108] : memref<2x800x64xf32, #tpu.memory_space<vmem>> -> memref<1x800x64xf32, #tpu.memory_space<vmem>>
    %dma_wait3A_110 = tpu.memref_squeeze %dma_wait3A_109 : memref<1x800x64xf32, #tpu.memory_space<vmem>> -> memref<800x64xf32, #tpu.memory_space<vmem>>
    tpu.wait_dma2 semaphore(%arg10 : memref<!tpu.dma_semaphore, #tpu.memory_space<semaphore_mem>>) src(%dma_wait3A_110 : memref<800x64xf32, #tpu.memory_space<vmem>>) dst(%dma_wait3A_106 : memref<800x64xf32, #tpu.memory_space<hbm>>)
    %dma_start3A_111 = arith.constant 1 : i32
    %dma_start3A_112 = arith.constant 0 : i32
    %dma_start3A_113 = arith.constant 0 : i32
    %dma_start3A_114 = tpu.memref_slice %arg6[%dma_start3A_111, %dma_start3A_112, %dma_start3A_113] : memref<2x800x64xf32, #tpu.memory_space<vmem>> -> memref<1x800x64xf32, #tpu.memory_space<vmem>>
    %dma_start3A_115 = tpu.memref_squeeze %dma_start3A_114 : memref<1x800x64xf32, #tpu.memory_space<vmem>> -> memref<800x64xf32, #tpu.memory_space<vmem>>
    %dma_start3A_116 = arith.constant 2400 : i32
    %dma_start3A_117 = tpu.memref_slice %arg5[%dma_start3A_116] : memref<6400xi32, #tpu.memory_space<vmem>> -> memref<800xi32, #tpu.memory_space<vmem>>
    %dma_start3A_118 = arith.constant 0 : i32
    %dma_start3A_119 = arith.constant 0 : i32
    %dma_start3A_120 = tpu.memref_slice %arg3[%dma_start3A_118, %dma_start3A_119] : memref<1000000x64xf32, #tpu.memory_space<hbm>> -> memref<1000000x64xf32, #tpu.memory_space<hbm>>
    tpu.enqueue_indirect_dma source(%dma_start3A_120 : memref<1000000x64xf32, #tpu.memory_space<hbm>>) target(%dma_start3A_115 : memref<800x64xf32, #tpu.memory_space<vmem>>) offsets(%dma_start3A_117 : memref<800xi32, #tpu.memory_space<vmem>>) semaphore(%arg8 : memref<!tpu.dma_semaphore, #tpu.memory_space<semaphore_mem>>)
    %dma_wait3A_121 = arith.constant 0 : i32
    %dma_wait3A_122 = arith.constant 0 : i32
    %dma_wait3A_123 = arith.constant 0 : i32
    %dma_wait3A_124 = tpu.memref_slice %arg6[%dma_wait3A_121, %dma_wait3A_122, %dma_wait3A_123] : memref<2x800x64xf32, #tpu.memory_space<vmem>> -> memref<1x800x64xf32, #tpu.memory_space<vmem>>
    %dma_wait3A_125 = tpu.memref_squeeze %dma_wait3A_124 : memref<1x800x64xf32, #tpu.memory_space<vmem>> -> memref<800x64xf32, #tpu.memory_space<vmem>>
    %dma_wait3A_126 = arith.constant 1600 : i32
    %dma_wait3A_127 = tpu.memref_slice %arg5[%dma_wait3A_126] : memref<6400xi32, #tpu.memory_space<vmem>> -> memref<800xi32, #tpu.memory_space<vmem>>
    %dma_wait3A_128 = arith.constant 0 : i32
    %dma_wait3A_129 = arith.constant 0 : i32
    %dma_wait3A_130 = tpu.memref_slice %arg3[%dma_wait3A_128, %dma_wait3A_129] : memref<1000000x64xf32, #tpu.memory_space<hbm>> -> memref<1000000x64xf32, #tpu.memory_space<hbm>>
    tpu.wait_indirect_dma semaphore(%arg7 : memref<!tpu.dma_semaphore, #tpu.memory_space<semaphore_mem>>) src(%dma_wait3A_130 : memref<1000000x64xf32, #tpu.memory_space<hbm>>) dst(%dma_wait3A_125 : memref<800x64xf32, #tpu.memory_space<vmem>>)
    %add3A_131 = arith.constant 1600 : i32
    %add3A_132 = arith.addi %mul3A_2, %add3A_131 : i32
    %dma_start3A_133 = arith.constant 0 : i32
    %dma_start3A_134 = arith.constant 0 : i32
    %dma_start3A_135 = arith.constant 0 : i32
    %dma_start3A_136 = tpu.memref_slice %arg6[%dma_start3A_133, %dma_start3A_134, %dma_start3A_135] : memref<2x800x64xf32, #tpu.memory_space<vmem>> -> memref<1x800x64xf32, #tpu.memory_space<vmem>>
    %dma_start3A_137 = tpu.memref_squeeze %dma_start3A_136 : memref<1x800x64xf32, #tpu.memory_space<vmem>> -> memref<800x64xf32, #tpu.memory_space<vmem>>
    %dma_start3A_138 = arith.constant 0 : i32
    %dma_start3A_139 = tpu.memref_slice %arg4[%add3A_132, %dma_start3A_138] : memref<204800x64xf32, #tpu.memory_space<hbm>> -> memref<800x64xf32, #tpu.memory_space<hbm>>
    %dma_start3A_140 = arith.constant 0 : i32
    %dma_start3A_141 = tpu.memref_slice %arg4[%add3A_132, %dma_start3A_140] : memref<204800x64xf32, #tpu.memory_space<hbm>> -> memref<800x64xf32, #tpu.memory_space<hbm>>
    %dma_start3A_142 = arith.constant 0 : i32
    %dma_start3A_143 = arith.constant 0 : i32
    %dma_start3A_144 = tpu.memref_slice %arg6[%dma_start3A_133, %dma_start3A_142, %dma_start3A_143] : memref<2x800x64xf32, #tpu.memory_space<vmem>> -> memref<1x800x64xf32, #tpu.memory_space<vmem>>
    %dma_start3A_145 = tpu.memref_squeeze %dma_start3A_144 : memref<1x800x64xf32, #tpu.memory_space<vmem>> -> memref<800x64xf32, #tpu.memory_space<vmem>>
    tpu.enqueue_dma source(%dma_start3A_145 : memref<800x64xf32, #tpu.memory_space<vmem>>) target(%dma_start3A_141 : memref<800x64xf32, #tpu.memory_space<hbm>>) target_semaphore(%arg9 : memref<!tpu.dma_semaphore, #tpu.memory_space<semaphore_mem>>)
    %add3A_146 = arith.constant 1600 : i32
    %add3A_147 = arith.addi %mul3A_2, %add3A_146 : i32
    %dma_wait3A_148 = arith.constant 0 : i32
    %dma_wait3A_149 = arith.constant 0 : i32
    %dma_wait3A_150 = arith.constant 0 : i32
    %dma_wait3A_151 = tpu.memref_slice %arg6[%dma_wait3A_148, %dma_wait3A_149, %dma_wait3A_150] : memref<2x800x64xf32, #tpu.memory_space<vmem>> -> memref<1x800x64xf32, #tpu.memory_space<vmem>>
    %dma_wait3A_152 = tpu.memref_squeeze %dma_wait3A_151 : memref<1x800x64xf32, #tpu.memory_space<vmem>> -> memref<800x64xf32, #tpu.memory_space<vmem>>
    %dma_wait3A_153 = arith.constant 0 : i32
    %dma_wait3A_154 = tpu.memref_slice %arg4[%add3A_147, %dma_wait3A_153] : memref<204800x64xf32, #tpu.memory_space<hbm>> -> memref<800x64xf32, #tpu.memory_space<hbm>>
    %dma_wait3A_155 = arith.constant 0 : i32
    %dma_wait3A_156 = tpu.memref_slice %arg4[%add3A_147, %dma_wait3A_155] : memref<204800x64xf32, #tpu.memory_space<hbm>> -> memref<800x64xf32, #tpu.memory_space<hbm>>
    %dma_wait3A_157 = arith.constant 0 : i32
    %dma_wait3A_158 = arith.constant 0 : i32
    %dma_wait3A_159 = tpu.memref_slice %arg6[%dma_wait3A_148, %dma_wait3A_157, %dma_wait3A_158] : memref<2x800x64xf32, #tpu.memory_space<vmem>> -> memref<1x800x64xf32, #tpu.memory_space<vmem>>
    %dma_wait3A_160 = tpu.memref_squeeze %dma_wait3A_159 : memref<1x800x64xf32, #tpu.memory_space<vmem>> -> memref<800x64xf32, #tpu.memory_space<vmem>>
    tpu.wait_dma2 semaphore(%arg9 : memref<!tpu.dma_semaphore, #tpu.memory_space<semaphore_mem>>) src(%dma_wait3A_160 : memref<800x64xf32, #tpu.memory_space<vmem>>) dst(%dma_wait3A_156 : memref<800x64xf32, #tpu.memory_space<hbm>>)
    %dma_start3A_161 = arith.constant 0 : i32
    %dma_start3A_162 = arith.constant 0 : i32
    %dma_start3A_163 = arith.constant 0 : i32
    %dma_start3A_164 = tpu.memref_slice %arg6[%dma_start3A_161, %dma_start3A_162, %dma_start3A_163] : memref<2x800x64xf32, #tpu.memory_space<vmem>> -> memref<1x800x64xf32, #tpu.memory_space<vmem>>
    %dma_start3A_165 = tpu.memref_squeeze %dma_start3A_164 : memref<1x800x64xf32, #tpu.memory_space<vmem>> -> memref<800x64xf32, #tpu.memory_space<vmem>>
    %dma_start3A_166 = arith.constant 3200 : i32
    %dma_start3A_167 = tpu.memref_slice %arg5[%dma_start3A_166] : memref<6400xi32, #tpu.memory_space<vmem>> -> memref<800xi32, #tpu.memory_space<vmem>>
    %dma_start3A_168 = arith.constant 0 : i32
    %dma_start3A_169 = arith.constant 0 : i32
    %dma_start3A_170 = tpu.memref_slice %arg3[%dma_start3A_168, %dma_start3A_169] : memref<1000000x64xf32, #tpu.memory_space<hbm>> -> memref<1000000x64xf32, #tpu.memory_space<hbm>>
    tpu.enqueue_indirect_dma source(%dma_start3A_170 : memref<1000000x64xf32, #tpu.memory_space<hbm>>) target(%dma_start3A_165 : memref<800x64xf32, #tpu.memory_space<vmem>>) offsets(%dma_start3A_167 : memref<800xi32, #tpu.memory_space<vmem>>) semaphore(%arg7 : memref<!tpu.dma_semaphore, #tpu.memory_space<semaphore_mem>>)
    %dma_wait3A_171 = arith.constant 1 : i32
    %dma_wait3A_172 = arith.constant 0 : i32
    %dma_wait3A_173 = arith.constant 0 : i32
    %dma_wait3A_174 = tpu.memref_slice %arg6[%dma_wait3A_171, %dma_wait3A_172, %dma_wait3A_173] : memref<2x800x64xf32, #tpu.memory_space<vmem>> -> memref<1x800x64xf32, #tpu.memory_space<vmem>>
    %dma_wait3A_175 = tpu.memref_squeeze %dma_wait3A_174 : memref<1x800x64xf32, #tpu.memory_space<vmem>> -> memref<800x64xf32, #tpu.memory_space<vmem>>
    %dma_wait3A_176 = arith.constant 2400 : i32
    %dma_wait3A_177 = tpu.memref_slice %arg5[%dma_wait3A_176] : memref<6400xi32, #tpu.memory_space<vmem>> -> memref<800xi32, #tpu.memory_space<vmem>>
    %dma_wait3A_178 = arith.constant 0 : i32
    %dma_wait3A_179 = arith.constant 0 : i32
    %dma_wait3A_180 = tpu.memref_slice %arg3[%dma_wait3A_178, %dma_wait3A_179] : memref<1000000x64xf32, #tpu.memory_space<hbm>> -> memref<1000000x64xf32, #tpu.memory_space<hbm>>
    tpu.wait_indirect_dma semaphore(%arg8 : memref<!tpu.dma_semaphore, #tpu.memory_space<semaphore_mem>>) src(%dma_wait3A_180 : memref<1000000x64xf32, #tpu.memory_space<hbm>>) dst(%dma_wait3A_175 : memref<800x64xf32, #tpu.memory_space<vmem>>)
    %add3A_181 = arith.constant 2400 : i32
    %add3A_182 = arith.addi %mul3A_2, %add3A_181 : i32
    %dma_start3A_183 = arith.constant 1 : i32
    %dma_start3A_184 = arith.constant 0 : i32
    %dma_start3A_185 = arith.constant 0 : i32
    %dma_start3A_186 = tpu.memref_slice %arg6[%dma_start3A_183, %dma_start3A_184, %dma_start3A_185] : memref<2x800x64xf32, #tpu.memory_space<vmem>> -> memref<1x800x64xf32, #tpu.memory_space<vmem>>
    %dma_start3A_187 = tpu.memref_squeeze %dma_start3A_186 : memref<1x800x64xf32, #tpu.memory_space<vmem>> -> memref<800x64xf32, #tpu.memory_space<vmem>>
    %dma_start3A_188 = arith.constant 0 : i32
    %dma_start3A_189 = tpu.memref_slice %arg4[%add3A_182, %dma_start3A_188] : memref<204800x64xf32, #tpu.memory_space<hbm>> -> memref<800x64xf32, #tpu.memory_space<hbm>>
    %dma_start3A_190 = arith.constant 0 : i32
    %dma_start3A_191 = tpu.memref_slice %arg4[%add3A_182, %dma_start3A_190] : memref<204800x64xf32, #tpu.memory_space<hbm>> -> memref<800x64xf32, #tpu.memory_space<hbm>>
    %dma_start3A_192 = arith.constant 0 : i32
    %dma_start3A_193 = arith.constant 0 : i32
    %dma_start3A_194 = tpu.memref_slice %arg6[%dma_start3A_183, %dma_start3A_192, %dma_start3A_193] : memref<2x800x64xf32, #tpu.memory_space<vmem>> -> memref<1x800x64xf32, #tpu.memory_space<vmem>>
    %dma_start3A_195 = tpu.memref_squeeze %dma_start3A_194 : memref<1x800x64xf32, #tpu.memory_space<vmem>> -> memref<800x64xf32, #tpu.memory_space<vmem>>
    tpu.enqueue_dma source(%dma_start3A_195 : memref<800x64xf32, #tpu.memory_space<vmem>>) target(%dma_start3A_191 : memref<800x64xf32, #tpu.memory_space<hbm>>) target_semaphore(%arg10 : memref<!tpu.dma_semaphore, #tpu.memory_space<semaphore_mem>>)
    %add3A_196 = arith.constant 2400 : i32
    %add3A_197 = arith.addi %mul3A_2, %add3A_196 : i32
    %dma_wait3A_198 = arith.constant 1 : i32
    %dma_wait3A_199 = arith.constant 0 : i32
    %dma_wait3A_200 = arith.constant 0 : i32
    %dma_wait3A_201 = tpu.memref_slice %arg6[%dma_wait3A_198, %dma_wait3A_199, %dma_wait3A_200] : memref<2x800x64xf32, #tpu.memory_space<vmem>> -> memref<1x800x64xf32, #tpu.memory_space<vmem>>
    %dma_wait3A_202 = tpu.memref_squeeze %dma_wait3A_201 : memref<1x800x64xf32, #tpu.memory_space<vmem>> -> memref<800x64xf32, #tpu.memory_space<vmem>>
    %dma_wait3A_203 = arith.constant 0 : i32
    %dma_wait3A_204 = tpu.memref_slice %arg4[%add3A_197, %dma_wait3A_203] : memref<204800x64xf32, #tpu.memory_space<hbm>> -> memref<800x64xf32, #tpu.memory_space<hbm>>
    %dma_wait3A_205 = arith.constant 0 : i32
    %dma_wait3A_206 = tpu.memref_slice %arg4[%add3A_197, %dma_wait3A_205] : memref<204800x64xf32, #tpu.memory_space<hbm>> -> memref<800x64xf32, #tpu.memory_space<hbm>>
    %dma_wait3A_207 = arith.constant 0 : i32
    %dma_wait3A_208 = arith.constant 0 : i32
    %dma_wait3A_209 = tpu.memref_slice %arg6[%dma_wait3A_198, %dma_wait3A_207, %dma_wait3A_208] : memref<2x800x64xf32, #tpu.memory_space<vmem>> -> memref<1x800x64xf32, #tpu.memory_space<vmem>>
    %dma_wait3A_210 = tpu.memref_squeeze %dma_wait3A_209 : memref<1x800x64xf32, #tpu.memory_space<vmem>> -> memref<800x64xf32, #tpu.memory_space<vmem>>
    tpu.wait_dma2 semaphore(%arg10 : memref<!tpu.dma_semaphore, #tpu.memory_space<semaphore_mem>>) src(%dma_wait3A_210 : memref<800x64xf32, #tpu.memory_space<vmem>>) dst(%dma_wait3A_206 : memref<800x64xf32, #tpu.memory_space<hbm>>)
    %dma_start3A_211 = arith.constant 1 : i32
    %dma_start3A_212 = arith.constant 0 : i32
    %dma_start3A_213 = arith.constant 0 : i32
    %dma_start3A_214 = tpu.memref_slice %arg6[%dma_start3A_211, %dma_start3A_212, %dma_start3A_213] : memref<2x800x64xf32, #tpu.memory_space<vmem>> -> memref<1x800x64xf32, #tpu.memory_space<vmem>>
    %dma_start3A_215 = tpu.memref_squeeze %dma_start3A_214 : memref<1x800x64xf32, #tpu.memory_space<vmem>> -> memref<800x64xf32, #tpu.memory_space<vmem>>
    %dma_start3A_216 = arith.constant 4000 : i32
    %dma_start3A_217 = tpu.memref_slice %arg5[%dma_start3A_216] : memref<6400xi32, #tpu.memory_space<vmem>> -> memref<800xi32, #tpu.memory_space<vmem>>
    %dma_start3A_218 = arith.constant 0 : i32
    %dma_start3A_219 = arith.constant 0 : i32
    %dma_start3A_220 = tpu.memref_slice %arg3[%dma_start3A_218, %dma_start3A_219] : memref<1000000x64xf32, #tpu.memory_space<hbm>> -> memref<1000000x64xf32, #tpu.memory_space<hbm>>
    tpu.enqueue_indirect_dma source(%dma_start3A_220 : memref<1000000x64xf32, #tpu.memory_space<hbm>>) target(%dma_start3A_215 : memref<800x64xf32, #tpu.memory_space<vmem>>) offsets(%dma_start3A_217 : memref<800xi32, #tpu.memory_space<vmem>>) semaphore(%arg8 : memref<!tpu.dma_semaphore, #tpu.memory_space<semaphore_mem>>)
    %dma_wait3A_221 = arith.constant 0 : i32
    %dma_wait3A_222 = arith.constant 0 : i32
    %dma_wait3A_223 = arith.constant 0 : i32
    %dma_wait3A_224 = tpu.memref_slice %arg6[%dma_wait3A_221, %dma_wait3A_222, %dma_wait3A_223] : memref<2x800x64xf32, #tpu.memory_space<vmem>> -> memref<1x800x64xf32, #tpu.memory_space<vmem>>
    %dma_wait3A_225 = tpu.memref_squeeze %dma_wait3A_224 : memref<1x800x64xf32, #tpu.memory_space<vmem>> -> memref<800x64xf32, #tpu.memory_space<vmem>>
    %dma_wait3A_226 = arith.constant 3200 : i32
    %dma_wait3A_227 = tpu.memref_slice %arg5[%dma_wait3A_226] : memref<6400xi32, #tpu.memory_space<vmem>> -> memref<800xi32, #tpu.memory_space<vmem>>
    %dma_wait3A_228 = arith.constant 0 : i32
    %dma_wait3A_229 = arith.constant 0 : i32
    %dma_wait3A_230 = tpu.memref_slice %arg3[%dma_wait3A_228, %dma_wait3A_229] : memref<1000000x64xf32, #tpu.memory_space<hbm>> -> memref<1000000x64xf32, #tpu.memory_space<hbm>>
    tpu.wait_indirect_dma semaphore(%arg7 : memref<!tpu.dma_semaphore, #tpu.memory_space<semaphore_mem>>) src(%dma_wait3A_230 : memref<1000000x64xf32, #tpu.memory_space<hbm>>) dst(%dma_wait3A_225 : memref<800x64xf32, #tpu.memory_space<vmem>>)
    %add3A_231 = arith.constant 3200 : i32
    %add3A_232 = arith.addi %mul3A_2, %add3A_231 : i32
    %dma_start3A_233 = arith.constant 0 : i32
    %dma_start3A_234 = arith.constant 0 : i32
    %dma_start3A_235 = arith.constant 0 : i32
    %dma_start3A_236 = tpu.memref_slice %arg6[%dma_start3A_233, %dma_start3A_234, %dma_start3A_235] : memref<2x800x64xf32, #tpu.memory_space<vmem>> -> memref<1x800x64xf32, #tpu.memory_space<vmem>>
    %dma_start3A_237 = tpu.memref_squeeze %dma_start3A_236 : memref<1x800x64xf32, #tpu.memory_space<vmem>> -> memref<800x64xf32, #tpu.memory_space<vmem>>
    %dma_start3A_238 = arith.constant 0 : i32
    %dma_start3A_239 = tpu.memref_slice %arg4[%add3A_232, %dma_start3A_238] : memref<204800x64xf32, #tpu.memory_space<hbm>> -> memref<800x64xf32, #tpu.memory_space<hbm>>
    %dma_start3A_240 = arith.constant 0 : i32
    %dma_start3A_241 = tpu.memref_slice %arg4[%add3A_232, %dma_start3A_240] : memref<204800x64xf32, #tpu.memory_space<hbm>> -> memref<800x64xf32, #tpu.memory_space<hbm>>
    %dma_start3A_242 = arith.constant 0 : i32
    %dma_start3A_243 = arith.constant 0 : i32
    %dma_start3A_244 = tpu.memref_slice %arg6[%dma_start3A_233, %dma_start3A_242, %dma_start3A_243] : memref<2x800x64xf32, #tpu.memory_space<vmem>> -> memref<1x800x64xf32, #tpu.memory_space<vmem>>
    %dma_start3A_245 = tpu.memref_squeeze %dma_start3A_244 : memref<1x800x64xf32, #tpu.memory_space<vmem>> -> memref<800x64xf32, #tpu.memory_space<vmem>>
    tpu.enqueue_dma source(%dma_start3A_245 : memref<800x64xf32, #tpu.memory_space<vmem>>) target(%dma_start3A_241 : memref<800x64xf32, #tpu.memory_space<hbm>>) target_semaphore(%arg9 : memref<!tpu.dma_semaphore, #tpu.memory_space<semaphore_mem>>)
    %add3A_246 = arith.constant 3200 : i32
    %add3A_247 = arith.addi %mul3A_2, %add3A_246 : i32
    %dma_wait3A_248 = arith.constant 0 : i32
    %dma_wait3A_249 = arith.constant 0 : i32
    %dma_wait3A_250 = arith.constant 0 : i32
    %dma_wait3A_251 = tpu.memref_slice %arg6[%dma_wait3A_248, %dma_wait3A_249, %dma_wait3A_250] : memref<2x800x64xf32, #tpu.memory_space<vmem>> -> memref<1x800x64xf32, #tpu.memory_space<vmem>>
    %dma_wait3A_252 = tpu.memref_squeeze %dma_wait3A_251 : memref<1x800x64xf32, #tpu.memory_space<vmem>> -> memref<800x64xf32, #tpu.memory_space<vmem>>
    %dma_wait3A_253 = arith.constant 0 : i32
    %dma_wait3A_254 = tpu.memref_slice %arg4[%add3A_247, %dma_wait3A_253] : memref<204800x64xf32, #tpu.memory_space<hbm>> -> memref<800x64xf32, #tpu.memory_space<hbm>>
    %dma_wait3A_255 = arith.constant 0 : i32
    %dma_wait3A_256 = tpu.memref_slice %arg4[%add3A_247, %dma_wait3A_255] : memref<204800x64xf32, #tpu.memory_space<hbm>> -> memref<800x64xf32, #tpu.memory_space<hbm>>
    %dma_wait3A_257 = arith.constant 0 : i32
    %dma_wait3A_258 = arith.constant 0 : i32
    %dma_wait3A_259 = tpu.memref_slice %arg6[%dma_wait3A_248, %dma_wait3A_257, %dma_wait3A_258] : memref<2x800x64xf32, #tpu.memory_space<vmem>> -> memref<1x800x64xf32, #tpu.memory_space<vmem>>
    %dma_wait3A_260 = tpu.memref_squeeze %dma_wait3A_259 : memref<1x800x64xf32, #tpu.memory_space<vmem>> -> memref<800x64xf32, #tpu.memory_space<vmem>>
    tpu.wait_dma2 semaphore(%arg9 : memref<!tpu.dma_semaphore, #tpu.memory_space<semaphore_mem>>) src(%dma_wait3A_260 : memref<800x64xf32, #tpu.memory_space<vmem>>) dst(%dma_wait3A_256 : memref<800x64xf32, #tpu.memory_space<hbm>>)
    %dma_start3A_261 = arith.constant 0 : i32
    %dma_start3A_262 = arith.constant 0 : i32
    %dma_start3A_263 = arith.constant 0 : i32
    %dma_start3A_264 = tpu.memref_slice %arg6[%dma_start3A_261, %dma_start3A_262, %dma_start3A_263] : memref<2x800x64xf32, #tpu.memory_space<vmem>> -> memref<1x800x64xf32, #tpu.memory_space<vmem>>
    %dma_start3A_265 = tpu.memref_squeeze %dma_start3A_264 : memref<1x800x64xf32, #tpu.memory_space<vmem>> -> memref<800x64xf32, #tpu.memory_space<vmem>>
    %dma_start3A_266 = arith.constant 4800 : i32
    %dma_start3A_267 = tpu.memref_slice %arg5[%dma_start3A_266] : memref<6400xi32, #tpu.memory_space<vmem>> -> memref<800xi32, #tpu.memory_space<vmem>>
    %dma_start3A_268 = arith.constant 0 : i32
    %dma_start3A_269 = arith.constant 0 : i32
    %dma_start3A_270 = tpu.memref_slice %arg3[%dma_start3A_268, %dma_start3A_269] : memref<1000000x64xf32, #tpu.memory_space<hbm>> -> memref<1000000x64xf32, #tpu.memory_space<hbm>>
    tpu.enqueue_indirect_dma source(%dma_start3A_270 : memref<1000000x64xf32, #tpu.memory_space<hbm>>) target(%dma_start3A_265 : memref<800x64xf32, #tpu.memory_space<vmem>>) offsets(%dma_start3A_267 : memref<800xi32, #tpu.memory_space<vmem>>) semaphore(%arg7 : memref<!tpu.dma_semaphore, #tpu.memory_space<semaphore_mem>>)
    %dma_wait3A_271 = arith.constant 1 : i32
    %dma_wait3A_272 = arith.constant 0 : i32
    %dma_wait3A_273 = arith.constant 0 : i32
    %dma_wait3A_274 = tpu.memref_slice %arg6[%dma_wait3A_271, %dma_wait3A_272, %dma_wait3A_273] : memref<2x800x64xf32, #tpu.memory_space<vmem>> -> memref<1x800x64xf32, #tpu.memory_space<vmem>>
    %dma_wait3A_275 = tpu.memref_squeeze %dma_wait3A_274 : memref<1x800x64xf32, #tpu.memory_space<vmem>> -> memref<800x64xf32, #tpu.memory_space<vmem>>
    %dma_wait3A_276 = arith.constant 4000 : i32
    %dma_wait3A_277 = tpu.memref_slice %arg5[%dma_wait3A_276] : memref<6400xi32, #tpu.memory_space<vmem>> -> memref<800xi32, #tpu.memory_space<vmem>>
    %dma_wait3A_278 = arith.constant 0 : i32
    %dma_wait3A_279 = arith.constant 0 : i32
    %dma_wait3A_280 = tpu.memref_slice %arg3[%dma_wait3A_278, %dma_wait3A_279] : memref<1000000x64xf32, #tpu.memory_space<hbm>> -> memref<1000000x64xf32, #tpu.memory_space<hbm>>
    tpu.wait_indirect_dma semaphore(%arg8 : memref<!tpu.dma_semaphore, #tpu.memory_space<semaphore_mem>>) src(%dma_wait3A_280 : memref<1000000x64xf32, #tpu.memory_space<hbm>>) dst(%dma_wait3A_275 : memref<800x64xf32, #tpu.memory_space<vmem>>)
    %add3A_281 = arith.constant 4000 : i32
    %add3A_282 = arith.addi %mul3A_2, %add3A_281 : i32
    %dma_start3A_283 = arith.constant 1 : i32
    %dma_start3A_284 = arith.constant 0 : i32
    %dma_start3A_285 = arith.constant 0 : i32
    %dma_start3A_286 = tpu.memref_slice %arg6[%dma_start3A_283, %dma_start3A_284, %dma_start3A_285] : memref<2x800x64xf32, #tpu.memory_space<vmem>> -> memref<1x800x64xf32, #tpu.memory_space<vmem>>
    %dma_start3A_287 = tpu.memref_squeeze %dma_start3A_286 : memref<1x800x64xf32, #tpu.memory_space<vmem>> -> memref<800x64xf32, #tpu.memory_space<vmem>>
    %dma_start3A_288 = arith.constant 0 : i32
    %dma_start3A_289 = tpu.memref_slice %arg4[%add3A_282, %dma_start3A_288] : memref<204800x64xf32, #tpu.memory_space<hbm>> -> memref<800x64xf32, #tpu.memory_space<hbm>>
    %dma_start3A_290 = arith.constant 0 : i32
    %dma_start3A_291 = tpu.memref_slice %arg4[%add3A_282, %dma_start3A_290] : memref<204800x64xf32, #tpu.memory_space<hbm>> -> memref<800x64xf32, #tpu.memory_space<hbm>>
    %dma_start3A_292 = arith.constant 0 : i32
    %dma_start3A_293 = arith.constant 0 : i32
    %dma_start3A_294 = tpu.memref_slice %arg6[%dma_start3A_283, %dma_start3A_292, %dma_start3A_293] : memref<2x800x64xf32, #tpu.memory_space<vmem>> -> memref<1x800x64xf32, #tpu.memory_space<vmem>>
    %dma_start3A_295 = tpu.memref_squeeze %dma_start3A_294 : memref<1x800x64xf32, #tpu.memory_space<vmem>> -> memref<800x64xf32, #tpu.memory_space<vmem>>
    tpu.enqueue_dma source(%dma_start3A_295 : memref<800x64xf32, #tpu.memory_space<vmem>>) target(%dma_start3A_291 : memref<800x64xf32, #tpu.memory_space<hbm>>) target_semaphore(%arg10 : memref<!tpu.dma_semaphore, #tpu.memory_space<semaphore_mem>>)
    %add3A_296 = arith.constant 4000 : i32
    %add3A_297 = arith.addi %mul3A_2, %add3A_296 : i32
    %dma_wait3A_298 = arith.constant 1 : i32
    %dma_wait3A_299 = arith.constant 0 : i32
    %dma_wait3A_300 = arith.constant 0 : i32
    %dma_wait3A_301 = tpu.memref_slice %arg6[%dma_wait3A_298, %dma_wait3A_299, %dma_wait3A_300] : memref<2x800x64xf32, #tpu.memory_space<vmem>> -> memref<1x800x64xf32, #tpu.memory_space<vmem>>
    %dma_wait3A_302 = tpu.memref_squeeze %dma_wait3A_301 : memref<1x800x64xf32, #tpu.memory_space<vmem>> -> memref<800x64xf32, #tpu.memory_space<vmem>>
    %dma_wait3A_303 = arith.constant 0 : i32
    %dma_wait3A_304 = tpu.memref_slice %arg4[%add3A_297, %dma_wait3A_303] : memref<204800x64xf32, #tpu.memory_space<hbm>> -> memref<800x64xf32, #tpu.memory_space<hbm>>
    %dma_wait3A_305 = arith.constant 0 : i32
    %dma_wait3A_306 = tpu.memref_slice %arg4[%add3A_297, %dma_wait3A_305] : memref<204800x64xf32, #tpu.memory_space<hbm>> -> memref<800x64xf32, #tpu.memory_space<hbm>>
    %dma_wait3A_307 = arith.constant 0 : i32
    %dma_wait3A_308 = arith.constant 0 : i32
    %dma_wait3A_309 = tpu.memref_slice %arg6[%dma_wait3A_298, %dma_wait3A_307, %dma_wait3A_308] : memref<2x800x64xf32, #tpu.memory_space<vmem>> -> memref<1x800x64xf32, #tpu.memory_space<vmem>>
    %dma_wait3A_310 = tpu.memref_squeeze %dma_wait3A_309 : memref<1x800x64xf32, #tpu.memory_space<vmem>> -> memref<800x64xf32, #tpu.memory_space<vmem>>
    tpu.wait_dma2 semaphore(%arg10 : memref<!tpu.dma_semaphore, #tpu.memory_space<semaphore_mem>>) src(%dma_wait3A_310 : memref<800x64xf32, #tpu.memory_space<vmem>>) dst(%dma_wait3A_306 : memref<800x64xf32, #tpu.memory_space<hbm>>)
    %dma_start3A_311 = arith.constant 1 : i32
    %dma_start3A_312 = arith.constant 0 : i32
    %dma_start3A_313 = arith.constant 0 : i32
    %dma_start3A_314 = tpu.memref_slice %arg6[%dma_start3A_311, %dma_start3A_312, %dma_start3A_313] : memref<2x800x64xf32, #tpu.memory_space<vmem>> -> memref<1x800x64xf32, #tpu.memory_space<vmem>>
    %dma_start3A_315 = tpu.memref_squeeze %dma_start3A_314 : memref<1x800x64xf32, #tpu.memory_space<vmem>> -> memref<800x64xf32, #tpu.memory_space<vmem>>
    %dma_start3A_316 = arith.constant 5600 : i32
    %dma_start3A_317 = tpu.memref_slice %arg5[%dma_start3A_316] : memref<6400xi32, #tpu.memory_space<vmem>> -> memref<800xi32, #tpu.memory_space<vmem>>
    %dma_start3A_318 = arith.constant 0 : i32
    %dma_start3A_319 = arith.constant 0 : i32
    %dma_start3A_320 = tpu.memref_slice %arg3[%dma_start3A_318, %dma_start3A_319] : memref<1000000x64xf32, #tpu.memory_space<hbm>> -> memref<1000000x64xf32, #tpu.memory_space<hbm>>
    tpu.enqueue_indirect_dma source(%dma_start3A_320 : memref<1000000x64xf32, #tpu.memory_space<hbm>>) target(%dma_start3A_315 : memref<800x64xf32, #tpu.memory_space<vmem>>) offsets(%dma_start3A_317 : memref<800xi32, #tpu.memory_space<vmem>>) semaphore(%arg8 : memref<!tpu.dma_semaphore, #tpu.memory_space<semaphore_mem>>)
    %dma_wait3A_321 = arith.constant 0 : i32
    %dma_wait3A_322 = arith.constant 0 : i32
    %dma_wait3A_323 = arith.constant 0 : i32
    %dma_wait3A_324 = tpu.memref_slice %arg6[%dma_wait3A_321, %dma_wait3A_322, %dma_wait3A_323] : memref<2x800x64xf32, #tpu.memory_space<vmem>> -> memref<1x800x64xf32, #tpu.memory_space<vmem>>
    %dma_wait3A_325 = tpu.memref_squeeze %dma_wait3A_324 : memref<1x800x64xf32, #tpu.memory_space<vmem>> -> memref<800x64xf32, #tpu.memory_space<vmem>>
    %dma_wait3A_326 = arith.constant 4800 : i32
    %dma_wait3A_327 = tpu.memref_slice %arg5[%dma_wait3A_326] : memref<6400xi32, #tpu.memory_space<vmem>> -> memref<800xi32, #tpu.memory_space<vmem>>
    %dma_wait3A_328 = arith.constant 0 : i32
    %dma_wait3A_329 = arith.constant 0 : i32
    %dma_wait3A_330 = tpu.memref_slice %arg3[%dma_wait3A_328, %dma_wait3A_329] : memref<1000000x64xf32, #tpu.memory_space<hbm>> -> memref<1000000x64xf32, #tpu.memory_space<hbm>>
    tpu.wait_indirect_dma semaphore(%arg7 : memref<!tpu.dma_semaphore, #tpu.memory_space<semaphore_mem>>) src(%dma_wait3A_330 : memref<1000000x64xf32, #tpu.memory_space<hbm>>) dst(%dma_wait3A_325 : memref<800x64xf32, #tpu.memory_space<vmem>>)
    %add3A_331 = arith.constant 4800 : i32
    %add3A_332 = arith.addi %mul3A_2, %add3A_331 : i32
    %dma_start3A_333 = arith.constant 0 : i32
    %dma_start3A_334 = arith.constant 0 : i32
    %dma_start3A_335 = arith.constant 0 : i32
    %dma_start3A_336 = tpu.memref_slice %arg6[%dma_start3A_333, %dma_start3A_334, %dma_start3A_335] : memref<2x800x64xf32, #tpu.memory_space<vmem>> -> memref<1x800x64xf32, #tpu.memory_space<vmem>>
    %dma_start3A_337 = tpu.memref_squeeze %dma_start3A_336 : memref<1x800x64xf32, #tpu.memory_space<vmem>> -> memref<800x64xf32, #tpu.memory_space<vmem>>
    %dma_start3A_338 = arith.constant 0 : i32
    %dma_start3A_339 = tpu.memref_slice %arg4[%add3A_332, %dma_start3A_338] : memref<204800x64xf32, #tpu.memory_space<hbm>> -> memref<800x64xf32, #tpu.memory_space<hbm>>
    %dma_start3A_340 = arith.constant 0 : i32
    %dma_start3A_341 = tpu.memref_slice %arg4[%add3A_332, %dma_start3A_340] : memref<204800x64xf32, #tpu.memory_space<hbm>> -> memref<800x64xf32, #tpu.memory_space<hbm>>
    %dma_start3A_342 = arith.constant 0 : i32
    %dma_start3A_343 = arith.constant 0 : i32
    %dma_start3A_344 = tpu.memref_slice %arg6[%dma_start3A_333, %dma_start3A_342, %dma_start3A_343] : memref<2x800x64xf32, #tpu.memory_space<vmem>> -> memref<1x800x64xf32, #tpu.memory_space<vmem>>
    %dma_start3A_345 = tpu.memref_squeeze %dma_start3A_344 : memref<1x800x64xf32, #tpu.memory_space<vmem>> -> memref<800x64xf32, #tpu.memory_space<vmem>>
    tpu.enqueue_dma source(%dma_start3A_345 : memref<800x64xf32, #tpu.memory_space<vmem>>) target(%dma_start3A_341 : memref<800x64xf32, #tpu.memory_space<hbm>>) target_semaphore(%arg9 : memref<!tpu.dma_semaphore, #tpu.memory_space<semaphore_mem>>)
    %dma_wait3A_346 = arith.constant 1 : i32
    %dma_wait3A_347 = arith.constant 0 : i32
    %dma_wait3A_348 = arith.constant 0 : i32
    %dma_wait3A_349 = tpu.memref_slice %arg6[%dma_wait3A_346, %dma_wait3A_347, %dma_wait3A_348] : memref<2x800x64xf32, #tpu.memory_space<vmem>> -> memref<1x800x64xf32, #tpu.memory_space<vmem>>
    %dma_wait3A_350 = tpu.memref_squeeze %dma_wait3A_349 : memref<1x800x64xf32, #tpu.memory_space<vmem>> -> memref<800x64xf32, #tpu.memory_space<vmem>>
    %dma_wait3A_351 = arith.constant 5600 : i32
    %dma_wait3A_352 = tpu.memref_slice %arg5[%dma_wait3A_351] : memref<6400xi32, #tpu.memory_space<vmem>> -> memref<800xi32, #tpu.memory_space<vmem>>
    %dma_wait3A_353 = arith.constant 0 : i32
    %dma_wait3A_354 = arith.constant 0 : i32
    %dma_wait3A_355 = tpu.memref_slice %arg3[%dma_wait3A_353, %dma_wait3A_354] : memref<1000000x64xf32, #tpu.memory_space<hbm>> -> memref<1000000x64xf32, #tpu.memory_space<hbm>>
    tpu.wait_indirect_dma semaphore(%arg8 : memref<!tpu.dma_semaphore, #tpu.memory_space<semaphore_mem>>) src(%dma_wait3A_355 : memref<1000000x64xf32, #tpu.memory_space<hbm>>) dst(%dma_wait3A_350 : memref<800x64xf32, #tpu.memory_space<vmem>>)
    %add3A_356 = arith.constant 5600 : i32
    %add3A_357 = arith.addi %mul3A_2, %add3A_356 : i32
    %dma_start3A_358 = arith.constant 1 : i32
    %dma_start3A_359 = arith.constant 0 : i32
    %dma_start3A_360 = arith.constant 0 : i32
    %dma_start3A_361 = tpu.memref_slice %arg6[%dma_start3A_358, %dma_start3A_359, %dma_start3A_360] : memref<2x800x64xf32, #tpu.memory_space<vmem>> -> memref<1x800x64xf32, #tpu.memory_space<vmem>>
    %dma_start3A_362 = tpu.memref_squeeze %dma_start3A_361 : memref<1x800x64xf32, #tpu.memory_space<vmem>> -> memref<800x64xf32, #tpu.memory_space<vmem>>
    %dma_start3A_363 = arith.constant 0 : i32
    %dma_start3A_364 = tpu.memref_slice %arg4[%add3A_357, %dma_start3A_363] : memref<204800x64xf32, #tpu.memory_space<hbm>> -> memref<800x64xf32, #tpu.memory_space<hbm>>
    %dma_start3A_365 = arith.constant 0 : i32
    %dma_start3A_366 = tpu.memref_slice %arg4[%add3A_357, %dma_start3A_365] : memref<204800x64xf32, #tpu.memory_space<hbm>> -> memref<800x64xf32, #tpu.memory_space<hbm>>
    %dma_start3A_367 = arith.constant 0 : i32
    %dma_start3A_368 = arith.constant 0 : i32
    %dma_start3A_369 = tpu.memref_slice %arg6[%dma_start3A_358, %dma_start3A_367, %dma_start3A_368] : memref<2x800x64xf32, #tpu.memory_space<vmem>> -> memref<1x800x64xf32, #tpu.memory_space<vmem>>
    %dma_start3A_370 = tpu.memref_squeeze %dma_start3A_369 : memref<1x800x64xf32, #tpu.memory_space<vmem>> -> memref<800x64xf32, #tpu.memory_space<vmem>>
    tpu.enqueue_dma source(%dma_start3A_370 : memref<800x64xf32, #tpu.memory_space<vmem>>) target(%dma_start3A_366 : memref<800x64xf32, #tpu.memory_space<hbm>>) target_semaphore(%arg10 : memref<!tpu.dma_semaphore, #tpu.memory_space<semaphore_mem>>)
    %add3A_371 = arith.constant 4800 : i32
    %add3A_372 = arith.addi %mul3A_2, %add3A_371 : i32
    %dma_wait3A_373 = arith.constant 0 : i32
    %dma_wait3A_374 = arith.constant 0 : i32
    %dma_wait3A_375 = arith.constant 0 : i32
    %dma_wait3A_376 = tpu.memref_slice %arg6[%dma_wait3A_373, %dma_wait3A_374, %dma_wait3A_375] : memref<2x800x64xf32, #tpu.memory_space<vmem>> -> memref<1x800x64xf32, #tpu.memory_space<vmem>>
    %dma_wait3A_377 = tpu.memref_squeeze %dma_wait3A_376 : memref<1x800x64xf32, #tpu.memory_space<vmem>> -> memref<800x64xf32, #tpu.memory_space<vmem>>
    %dma_wait3A_378 = arith.constant 0 : i32
    %dma_wait3A_379 = tpu.memref_slice %arg4[%add3A_372, %dma_wait3A_378] : memref<204800x64xf32, #tpu.memory_space<hbm>> -> memref<800x64xf32, #tpu.memory_space<hbm>>
    %dma_wait3A_380 = arith.constant 0 : i32
    %dma_wait3A_381 = tpu.memref_slice %arg4[%add3A_372, %dma_wait3A_380] : memref<204800x64xf32, #tpu.memory_space<hbm>> -> memref<800x64xf32, #tpu.memory_space<hbm>>
    %dma_wait3A_382 = arith.constant 0 : i32
    %dma_wait3A_383 = arith.constant 0 : i32
    %dma_wait3A_384 = tpu.memref_slice %arg6[%dma_wait3A_373, %dma_wait3A_382, %dma_wait3A_383] : memref<2x800x64xf32, #tpu.memory_space<vmem>> -> memref<1x800x64xf32, #tpu.memory_space<vmem>>
    %dma_wait3A_385 = tpu.memref_squeeze %dma_wait3A_384 : memref<1x800x64xf32, #tpu.memory_space<vmem>> -> memref<800x64xf32, #tpu.memory_space<vmem>>
    tpu.wait_dma2 semaphore(%arg9 : memref<!tpu.dma_semaphore, #tpu.memory_space<semaphore_mem>>) src(%dma_wait3A_385 : memref<800x64xf32, #tpu.memory_space<vmem>>) dst(%dma_wait3A_381 : memref<800x64xf32, #tpu.memory_space<hbm>>)
    %add3A_386 = arith.constant 5600 : i32
    %add3A_387 = arith.addi %mul3A_2, %add3A_386 : i32
    %dma_wait3A_388 = arith.constant 1 : i32
    %dma_wait3A_389 = arith.constant 0 : i32
    %dma_wait3A_390 = arith.constant 0 : i32
    %dma_wait3A_391 = tpu.memref_slice %arg6[%dma_wait3A_388, %dma_wait3A_389, %dma_wait3A_390] : memref<2x800x64xf32, #tpu.memory_space<vmem>> -> memref<1x800x64xf32, #tpu.memory_space<vmem>>
    %dma_wait3A_392 = tpu.memref_squeeze %dma_wait3A_391 : memref<1x800x64xf32, #tpu.memory_space<vmem>> -> memref<800x64xf32, #tpu.memory_space<vmem>>
    %dma_wait3A_393 = arith.constant 0 : i32
    %dma_wait3A_394 = tpu.memref_slice %arg4[%add3A_387, %dma_wait3A_393] : memref<204800x64xf32, #tpu.memory_space<hbm>> -> memref<800x64xf32, #tpu.memory_space<hbm>>
    %dma_wait3A_395 = arith.constant 0 : i32
    %dma_wait3A_396 = tpu.memref_slice %arg4[%add3A_387, %dma_wait3A_395] : memref<204800x64xf32, #tpu.memory_space<hbm>> -> memref<800x64xf32, #tpu.memory_space<hbm>>
    %dma_wait3A_397 = arith.constant 0 : i32
    %dma_wait3A_398 = arith.constant 0 : i32
    %dma_wait3A_399 = tpu.memref_slice %arg6[%dma_wait3A_388, %dma_wait3A_397, %dma_wait3A_398] : memref<2x800x64xf32, #tpu.memory_space<vmem>> -> memref<1x800x64xf32, #tpu.memory_space<vmem>>
    %dma_wait3A_400 = tpu.memref_squeeze %dma_wait3A_399 : memref<1x800x64xf32, #tpu.memory_space<vmem>> -> memref<800x64xf32, #tpu.memory_space<vmem>>
    tpu.wait_dma2 semaphore(%arg10 : memref<!tpu.dma_semaphore, #tpu.memory_space<semaphore_mem>>) src(%dma_wait3A_400 : memref<800x64xf32, #tpu.memory_space<vmem>>) dst(%dma_wait3A_396 : memref<800x64xf32, #tpu.memory_space<hbm>>)
    return
  }
}

</mosaic_0001>

<sc_bundles>
// kernel: kernel.3.cloned.1.call-start
scs
__scs_entry_jumppad:
0x0: {  	(pc) =	sbr.rel $0x88, $3  }
0x1: {  	(tag) =	ssettag $0x0;
	lr =	simm.s32 $0x1  }
0x2: {  	[smem:$0x3F9F] =	sst lr;
	_ =	strace $0xD0000000  }
0x3: {  	_ = 	snop  }
0x4: {  	_ = 	snop  }
0x5: {  	_ = 	snop  }
0x6: {  	_ = 	snop  }
0x7: {  	_ = 	snop  }
__scs_overlays_trampoline_lowered:
0x8: {  	[smem:$0x3FAE] =	sst s0  }
0x9: {  	[smem:$0x3FAF] =	sst s1  }
0xa: {  	[smem:$0x3FB0] =	sst s2  }
0xb: {  	[smem:$0x3FB1] =	sst s3  }
0xc: {  	[smem:$0x3FB2] =	sst s4  }
0xd: {  	[smem:$0x3FB3] =	sst s5  }
0xe: {  	[smem:$0x3FB4] =	sst s6  }
0xf: {  	[smem:$0x3FB5] =	sst s7  }
0x10: {  	[smem:$0x3FB6] =	sst s8  }
0x11: {  	[smem:$0x3FB7] =	sst s9;
	s0 =	simm.s32 @!p0 $0x0  }
0x12: {  	s1 =	sld [smem:$0x3F9D];
	s0 =	simm.s32 @p0 $0x1  }
0x13: {  	[smem:$0x3FB8] =	sst s0;
	s0 =	simm.s32 @!p1 $0x0  }
0x14: {  	s2 =	sld [smem:$0x3F9C];
	s0 =	simm.s32 @p1 $0x1  }
0x15: {  	[smem:$0x3FB9] =	sst s0;
	s0 =	simm.s32 @!p2 $0x0  }
0x16: {  	s3 =	sld [smem:$0x3FDB];
	s0 =	simm.s32 @p2 $0x1  }
0x17: {  	s4 =	simm.s32 $0x1BF5;
	[smem:$0x3FBB] =	sst s0  }
0x18: {  	s0 =	sld [smem:$0x3F9E];
	_ =	swait.ge [sflag:s4], $0x0  }
0x19: {  	s7 =	sld [smem:$0x3F9F]  }
0x1a: {  	s8 =	sadd.s32 $0xFFFFE003, lr  }
0x1b: {  	s9 =	sadd.s32 $0xFFFFFEF7, lr;
	s5 =	simm.s32 $0xFFFFFFFF;
	p2 =	slt.u32 s8, $0xFFFFF086  }
0x1c: {  	p1 =	slt.u32 s9, $0xF7A;
	s5 =	simm.s32 @!p2 $0x0  }
0x1d: {  	s5 =	simm.s32 @p1 $0x1;
	p0 =	seq.s32 s7, s2  }
0x1e: {  	s7 =	smul.u32 @!p0 $0xF7A, s2;
	p2 =	seq.s32 @!p0 s5, $0x0  }
0x1f: {  	s9 =	smul.u32 $0xF7A, s1;
	s8 =	simm.s32 @!p0 $0x1BF5;
	p2 =	por !p2, p0  }
0x20: {  	[sflag:s8] =	ssyncset.s32 @!p0 $0xFFFFF086;
	s6 =	sadd.s32 @!p0 s3, s7;
	s7 =	simm.s32 @!p0 $0x108  }
0x21: {  	s3 =	sadd.s32 s3, s9;
	s6 =	sadd.s32 @!p0 $0x88, s6;
	s7 =	simm.s32 @p2 $0x1082  }
0x22: {  	[simem:s7], [sflag:s8] =	dma.local @!p0 [hbm:s6], $0xF7A  }
0x23: {  	s9 =	sor.u32 $0xD0000000, s2;
	s6 =	simm.s32 $0x108;
	_ =	swait.ge @!p0 [sflag:s8], $0x0  }
0x24: {  	s3 =	sadd.s32 $0x88, s3;
	s6 =	simm.s32 @!p1 $0x1082;
	[sflag:s4] =	ssyncset.s32 $0xFFFFF086  }
0x25: {  	[simem:s6], [sflag:s4] =	dma.local [hbm:s3], $0xF7A  }
0x26: {  	[smem:$0x3F9F] =	sst s1;
	(tag) =	ssettag s2;
	_ =	strace s9  }
0x27: {  	s1 =	sld [smem:$0x3FAF]  }
0x28: {  	s2 =	sld [smem:$0x3FB0]  }
0x29: {  	s4 =	sld [smem:$0x3FB2]  }
0x2a: {  	p0 =	seq.s32 s5, $0x0;
	s5 =	sld [smem:$0x3FB3]  }
0x2b: {  	s6 =	sld [smem:$0x3FB4]  }
0x2c: {  	s7 =	sld [smem:$0x3FB5]  }
0x2d: {  	s3 =	simm.s32 $0x108;
	s8 =	sld [smem:$0x3FB6]  }
0x2e: {  	s3 =	simm.s32 @!p0 $0x1082;
	s9 =	sld [smem:$0x3FB7]  }
0x2f: {  	lr =	sadd.s32 s0, s3;
	s0 =	sld [smem:$0x3FAE]  }
0x30: {  	s3 =	sld [smem:$0x3FB1]  }
0x31: {  	[smem:$0x3FBA] =	sst s10  }
0x32: {  	s10 =	sld [smem:$0x3FB8];
	_ =	sdelay $0x3  }
0x33: {  	p0 =	seq.s32 s10, $0x1;
	s10 =	sld [smem:$0x3FBA];
	_ =	sdelay $0x3  }
0x34: {  	[smem:$0x3FBA] =	sst s10  }
0x35: {  	s10 =	sld [smem:$0x3FB9];
	_ =	sdelay $0x3  }
0x36: {  	p1 =	seq.s32 s10, $0x1;
	s10 =	sld [smem:$0x3FBA];
	_ =	sdelay $0x3  }
0x37: {  	[smem:$0x3FBA] =	sst s10  }
0x38: {  	s10 =	sld [smem:$0x3FBB]  }
0x39: {  	_ = 	snop;
	(pc) =	sbr.ind lr, $3  }
0x3a: {  	_ = 	snop  }
0x3b: {  	_ = 	snop  }
0x3c: {  	p2 =	seq.s32 s10, $0x1;
	s10 =	sld [smem:$0x3FBA]  }
0x3d: {  	_ =	shalt  }
0x3e: {  	_ =	shalt  }
0x3f: {  	_ =	shalt  }
0x40: {  	_ =	shalt  }
0x41: {  	_ =	shalt  }
0x42: {  	_ =	shalt  }
0x43: {  	_ =	shalt  }
0x44: {  	_ =	shalt  }
0x45: {  	_ =	shalt  }
0x46: {  	_ =	shalt  }
0x47: {  	_ =	shalt  }
0x48: {  	_ =	shalt  }
0x49: {  	_ =	shalt  }
0x4a: {  	_ =	shalt  }
0x4b: {  	_ =	shalt  }
0x4c: {  	_ =	shalt  }
0x4d: {  	_ =	shalt  }
0x4e: {  	_ =	shalt  }
0x4f: {  	_ =	shalt  }
0x50: {  	_ =	shalt  }
0x51: {  	_ =	shalt  }
0x52: {  	_ =	shalt  }
0x53: {  	_ =	shalt  }
0x54: {  	_ =	shalt  }
0x55: {  	_ =	shalt  }
0x56: {  	_ =	shalt  }
0x57: {  	_ =	shalt  }
0x58: {  	_ =	shalt  }
0x59: {  	_ =	shalt  }
0x5a: {  	_ =	shalt  }
0x5b: {  	_ =	shalt  }
0x5c: {  	_ =	shalt  }
0x5d: {  	_ =	shalt  }
0x5e: {  	_ =	shalt  }
0x5f: {  	_ =	shalt  }
0x60: {  	_ =	shalt  }
0x61: {  	_ =	shalt  }
0x62: {  	_ =	shalt  }
0x63: {  	_ =	shalt  }
0x64: {  	_ =	shalt  }
0x65: {  	_ =	shalt  }
0x66: {  	_ =	shalt  }
0x67: {  	_ =	shalt  }
0x68: {  	_ =	shalt  }
0x69: {  	_ =	shalt  }
0x6a: {  	_ =	shalt  }
0x6b: {  	_ =	shalt  }
0x6c: {  	_ =	shalt  }
0x6d: {  	_ =	shalt  }
0x6e: {  	_ =	shalt  }
0x6f: {  	_ =	shalt  }
0x70: {  	_ =	shalt  }
0x71: {  	_ =	shalt  }
0x72: {  	_ =	shalt  }
0x73: {  	_ =	shalt  }
0x74: {  	_ =	shalt  }
0x75: {  	_ =	shalt  }
0x76: {  	_ =	shalt  }
0x77: {  	_ =	shalt  }
0x78: {  	_ =	shalt  }
0x79: {  	_ =	shalt  }
0x7a: {  	_ =	shalt  }
0x7b: {  	_ =	shalt  }
0x7c: {  	_ =	shalt  }
0x7d: {  	_ =	shalt  }
0x7e: {  	_ =	shalt  }
0x7f: {  	_ =	shalt  }
0x80: {  	_ =	shalt  }
0x81: {  	_ =	shalt  }
0x82: {  	_ =	shalt  }
0x83: {  	_ =	shalt  }
0x84: {  	_ =	shalt  }
0x85: {  	_ =	shalt  }
0x86: {  	_ =	shalt  }
0x87: {  	_ =	shalt  }
.Lfunc_end0:
.L_simem_size_0:
called_computation.1_lowered:
.L_overlay_start_0:
0x88: {  	s2 =	sld [smem:$0x3FD9]  }
0x89: {  	s3 =	sld [smem:$0x3FFE];
	_ =	sdelay $0x1  }
0x8a: {  	s1 =	srdreg.scid  }
0x8b: {  	s0 =	sand.u32 $0x1, s1  }
0x8c: {  	s17 =	sshll.u32 s0, $0xA;
	s2 =	sadd.s32 s3, s2  }
0x8d: {  	s2 =	sadd.s32 s2, s17  }
0x8e: {  	[smem:$0x3FC6] =	sst s2  }
0x8f: {  	_ = 	snop  }
0x90: {  	s2 =	sld [smem:$0x3FD0];
	(tm) =	ssettm $0x1  }
0x91: {  	s18 =	sld [smem:$0x3FFB];
	_ =	sdelay $0x3  }
0x92: {  	_ =	strace s18  }
0x93: {  	s3 =	sld [smem:$0x3FFC];
	_ =	sdelay $0x3  }
0x94: {  	_ =	strace s3  }
0x95: {  	s3 =	sld [smem:$0x3FFD];
	_ =	sdelay $0x3  }
0x96: {  	_ =	strace s3  }
0x97: {  	_ =	strace $0x8FFFFFFF  }
0x98: {  	s19 =	sld [smem:$0x3FDB];
	_ =	sdelay $0x1  }
0x99: {  	s4 =	simm.s32 $_scs_section_size  }
0x9a: {  	s5 =	simm.s32 $_size__tile_overlayer_lowered;
	s6 =	simm.s32 $_tile_overlayer_lowered  }
0x9b: {  	s22 =	simm.s32 $0x1BFF;
	s21 =	sshll.u32 s6, $0x1;
	s3 =	sadd.s32 s4, s19  }
0x9c: {  	s7 =	simm.s32 $0x0;
	s20 =	sshll.u32 s5, $0x1;
	s5 =	sadd.s32 s21, s3  }
0x9d: {  	[timem:s7], [sflag:s22] =	dma.local [hbm:s5], s20  }
0x9e: {  	_ =	swait.ge [sflag:s22], s20  }
0x9f: {  	s4 =	ssub.s32 $0x0, s20;
	[sflag:s22] =	ssyncset.done $0x0  }
0xa0: {  	[sflag:s22] =	ssyncadd.s32 s4;
	_ =	sdelay $0x1  }
0xa1: {  	s23 =	simm.s32 $0x1B8B  }
0xa2: {  	_ =	swait.ge [sflag:s23], $0x1  }
0xa3: {  	[sflag:s23] =	ssyncset.done $0x0  }
0xa4: {  	s25 =	simm.s32 $0x1B8E;
	s24 =	sld [smem:$0x3FFE];
	[sflag:s23] =	ssyncadd.s32 $0xFFFFFFFF  }
0xa5: {  	s26 =	simm.s32 $execute0_lowered;
	[smem:$0x3FD2] =	sst s25  }
0xa6: {  	s5 =	sshll.u32 s26, $0x1;
	_ =	strace $0x80000046;
	[dreg:$0x1] =	wrdreg $0xFFFFFFFF  }
0xa7: {  	s28 =	simm.s32 $_size_execute0_lowered;
	s3 =	sadd.s32 s3, s5;
	[dreg:$0x0] =	wrdreg $0x0  }
0xa8: {  	s5 =	sshll.u32 s28, $0x1;
	[dreg:$0x2] =	wrdreg s3  }
0xa9: {  	[dreg:$0x3] =	wrdreg s5  }
0xaa: {  	[dreg:$0x4] =	wrdreg $0xC0  }
0xab: {  	_ =	task [dreg:s7], $0x5FFFF  }
0xac: {  	[dreg:$0x1] =	wrdreg $0xFFFFFFFF  }
0xad: {  	[dreg:$0x0] =	wrdreg $0x60  }
0xae: {  	[dreg:$0x2] =	wrdreg s24  }
0xaf: {  	[dreg:$0x3] =	wrdreg s2  }
0xb0: {  	[dreg:$0x4] =	wrdreg $0x9  }
0xb1: {  	_ =	task.clear_ibuf [dreg:s7], $0x5FFFF;
	_ =	strace $0x90000046  }
0xb2: {  	s29 =	simm.s32 $0x9;
	_ =	strace $0x80000048  }
0xb3: {  	_ =	swait.ge [sflag:s29], $0x1  }
0xb4: {  	[sflag:s29] =	ssyncadd.s32 $0xFFFFFFFF  }
0xb5: {  	_ =	strace $0x90000048  }
0xb6: {  	_ =	sfence  }
0xb7: {  	s30 =	sld [smem:$0x0];
	_ =	sdelay $0x2  }
0xb8: {  	s31 =	sshll.u32 s1, $0xD;
	s1 =	sshrl.u32 s1, $0x2  }
0xb9: {  	s3 =	sand.u32 $0x4000, s31;
	s1 =	sadd.s32 s1, s30  }
0xba: {  	s0 =	sor.u32 s3, s0;
	s1 =	sshll.u32 s1, $0x11  }
0xbb: {  	s0 =	sor.u32 s1, s0  }
0xbc: {  	s0 =	sadd.s32 $0x8F2B, s0  }
0xbd: {  	[sflag:s0] =	ssyncadd.remote.s32 $0x1  }
0xbe: {  	_ =	sfence.sel $0xFFFF  }
0xbf: {  	[dreg:$0x0] =	wrdreg $0xFFFFFFFF;
	(pc) =	sbr.abs _section_cstart, $3  }
0xc0: {  	[dreg:$0x1] =	wrdreg $0xFFFFFFFF  }
0xc1: {  	_ =	task.clear_ibuf [dreg:s7], $0x2FFFF;
	_ =	strace $0x9FFFFFFF  }
0xc2: {  	(tm) =	ssettm $0x7FFFFFFF  }
0xc3: {  	_ =	shalt  }
tec
execute0_lowered:
.L_overlay_start_1:
0x0: {  	(tag) =	ssettag $0x1  }
0x1: {  	s1 =	srdreg.scid;
	s0 =	stileid.u32  }
0x2: {  	s26 =	sand.u32 $0x1, s1;
	s31 =	sshll.u32 s0, $0x1  }
0x3: {  	s12 =	sor.u32 s26, s31  }
0x4: {  	s5 =	rddreg [dreg:$0x0];
	s3 =	smul.u32 $0x320, s12  }
0x5: {  	s14 =	rddreg [dreg:$0x1];
	s2 =	simm.s32 $0x0  }
0x6: {  	s4 =	simm.s32 $0x5;
	[smem:$0x7FF] =	sst s2;
	s3 =	sadd.s32 s3, s5  }
0x7: {  	s1 =	rddreg [dreg:$0x2];
	_ =	strace $0x80000047;
	s3 =	sadd.s32 $0xA00, s3  }
0x8: {  	[tilespmem:s2], [sflag:$0x5] =	stream.linear.gather [hbm4b:s3+s2], $0x1900, $0x38;
	[tilespmem:$0x1A900] =	vst v63  }
0x9: {  	_ =	swait.ge [sflag:s4], $0x1900  }
0xa: {  	s6 =	simm.s32 $0x320;
	[sflag:s4] =	ssyncset.done $0x0  }
0xb: {  	s7 =	simm.s32 $0x1900;
	s5 =	sadd.s32 $0xF42E00, s5;
	[sflag:s4] =	ssyncadd.s32 $0xFFFFE700  }
0xc: {  	[tilespmem:s7], [sflag:$0x1] =	stream.indirect.gather [hbm4b:s5+s6], $0x40, s2, s6, $0xb8;
	[tilespmem:$0x1A900] =	vst v63  }
0xd: {  	s8 =	simm.s32 $0xE100;
	s9 =	simm.s32 $0x1  }
0xe: {  	[tilespmem:s8], [sflag:$0x2] =	stream.indirect.gather [hbm4b:s5+s6], $0x40, s6, s6, $0xb8;
	[tilespmem:$0x1A900] =	vst v63  }
0xf: {  	s10 =	smul.u32 $0xC800, s12;
	_ =	swait.ge [sflag:s9], $0xC800  }
0x10: {  	[sflag:s9] =	ssyncset.done $0x0  }
0x11: {  	s11 =	simm.s32 $0x3;
	s10 =	sadd.s32 s14, s10;
	[sflag:s9] =	ssyncadd.s32 $0xFFFF3800  }
0x12: {  	[hbm4b:s10+s2] =	stream.linear.scatter [tilespmem:s7], [sflag:$0x3], $0xC800, $0x38;
	[tilespmem:$0x1A900] =	vst v63  }
0x13: {  	_ =	swait.ge [sflag:s11], $0xC800  }
0x14: {  	s13 =	simm.s32 $0x2;
	[sflag:s11] =	ssyncset.done $0x0  }
0x15: {  	s15 =	smul.u32 $0x64000, s12;
	s12 =	simm.s32 $0x640;
	[sflag:s11] =	ssyncadd.s32 $0xFFFF3800  }
0x16: {  	[tilespmem:s7], [sflag:$0x1] =	stream.indirect.gather [hbm4b:s5+s6], $0x40, s12, s6, $0xb8;
	[tilespmem:$0x1A900] =	vst v63  }
0x17: {  	s15 =	sshrl.u32 s15, $0x3;
	_ =	swait.ge [sflag:s13], $0xC800  }
0x18: {  	s28 =	sadd.s32 s14, s15;
	[sflag:s13] =	ssyncset.done $0x0  }
0x19: {  	s14 =	simm.s32 $0x4;
	s15 =	sadd.s32 $0x1900, s28;
	[sflag:s13] =	ssyncadd.s32 $0xFFFF3800  }
0x1a: {  	[hbm4b:s15+s2] =	stream.linear.scatter [tilespmem:s8], [sflag:$0x4], $0xC800, $0x38;
	[tilespmem:$0x1A900] =	vst v63  }
0x1b: {  	_ =	swait.ge [sflag:s14], $0xC800  }
0x1c: {  	[sflag:s14] =	ssyncset.done $0x0  }
0x1d: {  	s16 =	simm.s32 $0x960;
	[sflag:s14] =	ssyncadd.s32 $0xFFFF3800  }
0x1e: {  	[tilespmem:s8], [sflag:$0x2] =	stream.indirect.gather [hbm4b:s5+s6], $0x40, s16, s6, $0xb8;
	[tilespmem:$0x1A900] =	vst v63  }
0x1f: {  	_ =	swait.ge [sflag:s9], $0xC800  }
0x20: {  	[sflag:s9] =	ssyncset.done $0x0  }
0x21: {  	s17 =	sadd.s32 $0x3200, s28;
	[sflag:s9] =	ssyncadd.s32 $0xFFFF3800  }
0x22: {  	[hbm4b:s17+s2] =	stream.linear.scatter [tilespmem:s7], [sflag:$0x3], $0xC800, $0x38;
	[tilespmem:$0x1A900] =	vst v63  }
0x23: {  	_ =	swait.ge [sflag:s11], $0xC800  }
0x24: {  	[sflag:s11] =	ssyncset.done $0x0  }
0x25: {  	s18 =	simm.s32 $0xC80;
	[sflag:s11] =	ssyncadd.s32 $0xFFFF3800  }
0x26: {  	[tilespmem:s7], [sflag:$0x1] =	stream.indirect.gather [hbm4b:s5+s6], $0x40, s18, s6, $0xb8;
	[tilespmem:$0x1A900] =	vst v63  }
0x27: {  	_ =	swait.ge [sflag:s13], $0xC800  }
0x28: {  	[sflag:s13] =	ssyncset.done $0x0  }
0x29: {  	s19 =	sadd.s32 $0x4B00, s28;
	[sflag:s13] =	ssyncadd.s32 $0xFFFF3800  }
0x2a: {  	[hbm4b:s19+s2] =	stream.linear.scatter [tilespmem:s8], [sflag:$0x4], $0xC800, $0x38;
	[tilespmem:$0x1A900] =	vst v63  }
0x2b: {  	_ =	swait.ge [sflag:s14], $0xC800  }
0x2c: {  	[sflag:s14] =	ssyncset.done $0x0  }
0x2d: {  	s20 =	simm.s32 $0xFA0;
	[sflag:s14] =	ssyncadd.s32 $0xFFFF3800  }
0x2e: {  	[tilespmem:s8], [sflag:$0x2] =	stream.indirect.gather [hbm4b:s5+s6], $0x40, s20, s6, $0xb8;
	[tilespmem:$0x1A900] =	vst v63  }
0x2f: {  	_ =	swait.ge [sflag:s9], $0xC800  }
0x30: {  	[sflag:s9] =	ssyncset.done $0x0  }
0x31: {  	s21 =	sadd.s32 $0x6400, s28;
	[sflag:s9] =	ssyncadd.s32 $0xFFFF3800  }
0x32: {  	[hbm4b:s21+s2] =	stream.linear.scatter [tilespmem:s7], [sflag:$0x3], $0xC800, $0x38;
	[tilespmem:$0x1A900] =	vst v63  }
0x33: {  	_ =	swait.ge [sflag:s11], $0xC800  }
0x34: {  	[sflag:s11] =	ssyncset.done $0x0  }
0x35: {  	s22 =	simm.s32 $0x12C0;
	[sflag:s11] =	ssyncadd.s32 $0xFFFF3800  }
0x36: {  	[tilespmem:s7], [sflag:$0x1] =	stream.indirect.gather [hbm4b:s5+s6], $0x40, s22, s6, $0xb8;
	[tilespmem:$0x1A900] =	vst v63  }
0x37: {  	_ =	swait.ge [sflag:s13], $0xC800  }
0x38: {  	[sflag:s13] =	ssyncset.done $0x0  }
0x39: {  	s23 =	sadd.s32 $0x7D00, s28;
	[sflag:s13] =	ssyncadd.s32 $0xFFFF3800  }
0x3a: {  	[hbm4b:s23+s2] =	stream.linear.scatter [tilespmem:s8], [sflag:$0x4], $0xC800, $0x38;
	[tilespmem:$0x1A900] =	vst v63  }
0x3b: {  	_ =	swait.ge [sflag:s14], $0xC800  }
0x3c: {  	[sflag:s14] =	ssyncset.done $0x0  }
0x3d: {  	s24 =	simm.s32 $0x15E0;
	[sflag:s14] =	ssyncadd.s32 $0xFFFF3800  }
0x3e: {  	[tilespmem:s8], [sflag:$0x2] =	stream.indirect.gather [hbm4b:s5+s6], $0x40, s24, s6, $0xb8;
	[tilespmem:$0x1A900] =	vst v63  }
0x3f: {  	_ =	swait.ge [sflag:s9], $0xC800  }
0x40: {  	s29 =	ssub.s32 $0x2, s26;
	s25 =	sadd.s32 $0x9600, s28;
	[sflag:s9] =	ssyncset.done $0x0  }
0x41: {  	s26 =	sadd.s32 $0xAF00, s28;
	s28 =	sshrl.u32 s29, $0x1;
	[sflag:s9] =	ssyncadd.s32 $0xFFFF3800  }
0x42: {  	[hbm4b:s25+s2] =	stream.linear.scatter [tilespmem:s7], [sflag:$0x3], $0xC800, $0x38;
	[tilespmem:$0x1A900] =	vst v63  }
0x43: {  	s28 =	ssub.s32 s29, s28;
	_ =	swait.ge [sflag:s13], $0xC800  }
0x44: {  	s28 =	smax.u32 s28, $0x1;
	[sflag:s13] =	ssyncset.done $0x0  }
0x45: {  	p0 =	sne.s32 s28, $0x1;
	[sflag:s13] =	ssyncadd.s32 $0xFFFF3800  }
0x46: {  	[hbm4b:s26+s2] =	stream.linear.scatter [tilespmem:s8], [sflag:$0x4], $0xC800, $0x38;
	[tilespmem:$0x1A900] =	vst v63  }
.Ltmp0:
0x47: {  	_ =	swait.ge [sflag:s11], $0xC800;
	(pc) =	sbr.rel @!p0 .LBB2_2-.Ltmp0, $4  }
0x48: {  	[sflag:s11] =	ssyncset.done $0x0  }
0x49: {  	[sflag:s11] =	ssyncadd.s32 $0xFFFF3800  }
0x4a: {  	_ =	swait.ge [sflag:s14], $0xC800  }
0x4b: {  	s28 =	sadd.s32 $0xFFFFFFFF, s28;
	[sflag:s14] =	ssyncset.done $0x0  }
.LBB2_1:
0x4c: {  	p0 =	sne.s32 s28, $0x1;
	s28 =	sadd.s32 $0xFFFFFFFF, s28;
	[sflag:s14] =	ssyncadd.s32 $0xFFFF3800  }
0x4d: {  	[tilespmem:s2], [sflag:$0x5] =	stream.linear.gather [hbm4b:s3+s2], $0x1900, $0x38;
	[tilespmem:$0x1A900] =	vst v63  }
0x4e: {  	_ =	swait.ge [sflag:s4], $0x1900  }
0x4f: {  	[sflag:s4] =	ssyncset.done $0x0  }
0x50: {  	[sflag:s4] =	ssyncadd.s32 $0xFFFFE700  }
0x51: {  	[tilespmem:s7], [sflag:$0x1] =	stream.indirect.gather [hbm4b:s5+s6], $0x40, s2, s6, $0xb8;
	[tilespmem:$0x1A900] =	vst v63  }
0x52: {  	_ = 	snop  }
0x53: {  	[tilespmem:s8], [sflag:$0x2] =	stream.indirect.gather [hbm4b:s5+s6], $0x40, s6, s6, $0xb8;
	[tilespmem:$0x1A900] =	vst v63  }
0x54: {  	_ =	swait.ge [sflag:s9], $0xC800  }
0x55: {  	[sflag:s9] =	ssyncset.done $0x0  }
0x56: {  	[sflag:s9] =	ssyncadd.s32 $0xFFFF3800  }
0x57: {  	[hbm4b:s10+s2] =	stream.linear.scatter [tilespmem:s7], [sflag:$0x3], $0xC800, $0x38;
	[tilespmem:$0x1A900] =	vst v63  }
0x58: {  	_ =	swait.ge [sflag:s11], $0xC800  }
0x59: {  	[sflag:s11] =	ssyncset.done $0x0  }
0x5a: {  	[sflag:s11] =	ssyncadd.s32 $0xFFFF3800  }
0x5b: {  	[tilespmem:s7], [sflag:$0x1] =	stream.indirect.gather [hbm4b:s5+s6], $0x40, s12, s6, $0xb8;
	[tilespmem:$0x1A900] =	vst v63  }
0x5c: {  	_ =	swait.ge [sflag:s13], $0xC800  }
0x5d: {  	[sflag:s13] =	ssyncset.done $0x0  }
0x5e: {  	[sflag:s13] =	ssyncadd.s32 $0xFFFF3800  }
0x5f: {  	[hbm4b:s15+s2] =	stream.linear.scatter [tilespmem:s8], [sflag:$0x4], $0xC800, $0x38;
	[tilespmem:$0x1A900] =	vst v63  }
0x60: {  	_ =	swait.ge [sflag:s14], $0xC800  }
0x61: {  	[sflag:s14] =	ssyncset.done $0x0  }
0x62: {  	[sflag:s14] =	ssyncadd.s32 $0xFFFF3800  }
0x63: {  	[tilespmem:s8], [sflag:$0x2] =	stream.indirect.gather [hbm4b:s5+s6], $0x40, s16, s6, $0xb8;
	[tilespmem:$0x1A900] =	vst v63  }
0x64: {  	_ =	swait.ge [sflag:s9], $0xC800  }
0x65: {  	[sflag:s9] =	ssyncset.done $0x0  }
0x66: {  	[sflag:s9] =	ssyncadd.s32 $0xFFFF3800  }
0x67: {  	[hbm4b:s17+s2] =	stream.linear.scatter [tilespmem:s7], [sflag:$0x3], $0xC800, $0x38;
	[tilespmem:$0x1A900] =	vst v63  }
0x68: {  	_ =	swait.ge [sflag:s11], $0xC800  }
0x69: {  	[sflag:s11] =	ssyncset.done $0x0  }
0x6a: {  	[sflag:s11] =	ssyncadd.s32 $0xFFFF3800  }
0x6b: {  	[tilespmem:s7], [sflag:$0x1] =	stream.indirect.gather [hbm4b:s5+s6], $0x40, s18, s6, $0xb8;
	[tilespmem:$0x1A900] =	vst v63  }
0x6c: {  	_ =	swait.ge [sflag:s13], $0xC800  }
0x6d: {  	[sflag:s13] =	ssyncset.done $0x0  }
0x6e: {  	[sflag:s13] =	ssyncadd.s32 $0xFFFF3800  }
0x6f: {  	[hbm4b:s19+s2] =	stream.linear.scatter [tilespmem:s8], [sflag:$0x4], $0xC800, $0x38;
	[tilespmem:$0x1A900] =	vst v63  }
0x70: {  	_ =	swait.ge [sflag:s14], $0xC800  }
0x71: {  	[sflag:s14] =	ssyncset.done $0x0  }
0x72: {  	[sflag:s14] =	ssyncadd.s32 $0xFFFF3800  }
0x73: {  	[tilespmem:s8], [sflag:$0x2] =	stream.indirect.gather [hbm4b:s5+s6], $0x40, s20, s6, $0xb8;
	[tilespmem:$0x1A900] =	vst v63  }
0x74: {  	_ =	swait.ge [sflag:s9], $0xC800  }
0x75: {  	[sflag:s9] =	ssyncset.done $0x0  }
0x76: {  	[sflag:s9] =	ssyncadd.s32 $0xFFFF3800  }
0x77: {  	[hbm4b:s21+s2] =	stream.linear.scatter [tilespmem:s7], [sflag:$0x3], $0xC800, $0x38;
	[tilespmem:$0x1A900] =	vst v63  }
0x78: {  	_ =	swait.ge [sflag:s11], $0xC800  }
0x79: {  	[sflag:s11] =	ssyncset.done $0x0  }
0x7a: {  	[sflag:s11] =	ssyncadd.s32 $0xFFFF3800  }
0x7b: {  	[tilespmem:s7], [sflag:$0x1] =	stream.indirect.gather [hbm4b:s5+s6], $0x40, s22, s6, $0xb8;
	[tilespmem:$0x1A900] =	vst v63  }
0x7c: {  	_ =	swait.ge [sflag:s13], $0xC800  }
0x7d: {  	[sflag:s13] =	ssyncset.done $0x0  }
0x7e: {  	[sflag:s13] =	ssyncadd.s32 $0xFFFF3800  }
0x7f: {  	[hbm4b:s23+s2] =	stream.linear.scatter [tilespmem:s8], [sflag:$0x4], $0xC800, $0x38;
	[tilespmem:$0x1A900] =	vst v63  }
0x80: {  	_ =	swait.ge [sflag:s14], $0xC800  }
0x81: {  	[sflag:s14] =	ssyncset.done $0x0  }
0x82: {  	[sflag:s14] =	ssyncadd.s32 $0xFFFF3800  }
0x83: {  	[tilespmem:s8], [sflag:$0x2] =	stream.indirect.gather [hbm4b:s5+s6], $0x40, s24, s6, $0xb8;
	[tilespmem:$0x1A900] =	vst v63  }
0x84: {  	_ =	swait.ge [sflag:s9], $0xC800  }
0x85: {  	[sflag:s9] =	ssyncset.done $0x0  }
0x86: {  	[sflag:s9] =	ssyncadd.s32 $0xFFFF3800  }
0x87: {  	[hbm4b:s25+s2] =	stream.linear.scatter [tilespmem:s7], [sflag:$0x3], $0xC800, $0x38;
	[tilespmem:$0x1A900] =	vst v63  }
0x88: {  	_ =	swait.ge [sflag:s13], $0xC800  }
0x89: {  	[sflag:s13] =	ssyncset.done $0x0  }
0x8a: {  	[sflag:s13] =	ssyncadd.s32 $0xFFFF3800  }
0x8b: {  	[hbm4b:s26+s2] =	stream.linear.scatter [tilespmem:s8], [sflag:$0x4], $0xC800, $0x38;
	[tilespmem:$0x1A900] =	vst v63  }
.Ltmp1:
0x8c: {  	_ =	swait.ge [sflag:s11], $0xC800;
	(pc) =	sbr.rel @p0 .LBB2_1-.Ltmp1, $4  }
0x8d: {  	[sflag:s11] =	ssyncset.done $0x0  }
0x8e: {  	[sflag:s11] =	ssyncadd.s32 $0xFFFF3800  }
0x8f: {  	_ =	swait.ge [sflag:s14], $0xC800  }
0x90: {  	[sflag:s14] =	ssyncset.done $0x0  }
.LBB2_2:
0x91: {  	[sflag:s14] =	ssyncadd.s32 $0xFFFF3800  }
0x92: {  	_ =	sfence.sel $0x180000  }
0x93: {  	[bflag:$0x0] =	sbarrier.arrive $0xFFFF  }
0x94: {  	p0 =	sne.s32 s0, $0x0;
	_ =	strace $0x90000047  }
0x95: {  	s0 =	sadd.s32 @!p0 $0x100000, s1;
	[bflag:$0x2] =	sbarrier.arrive $0xFFFF  }
0x96: {  	[sflag:s0] =	ssyncadd.tile.s32 @!p0 $0x1;
	_ =	shalt  }
.Lfunc_end2:
_tile_overlayer_lowered:
.L_overlay_start_2:
0x97: {  	(tag) =	ssettag $0x2  }
0x98: {  	s0 =	rddreg [dreg:$0x0];
	s2 =	stileid.u32  }
0x99: {  	s1 =	rddreg [dreg:$0x1];
	p0 =	sne.s32 s2, $0x0  }
0x9a: {  	s3 =	rddreg [dreg:$0x2];
	[bflag:$0x3] =	sbarrier.arrive $0xFFFF;
	s2 =	simm.s32 @!p0 $0x1C05  }
0x9b: {  	[timem:s3], [sflag:s2] =	dma.local @!p0 [hbm:s0], s1  }
0x9c: {  	s0 =	simm.s32 @!p0 $0x5  }
0x9d: {  	_ =	swait.ge @!p0 [sflag:s0], s1  }
0x9e: {  	s1 =	ssub.s32 @!p0 $0x0, s1;
	[sflag:s0] =	ssyncset.done @!p0 $0x0  }
0x9f: {  	[sflag:s0] =	ssyncadd.s32 @!p0 s1  }
0xa0: {  	[bflag:$0x3] =	sbarrier.arrive $0xFFFF  }
0xa1: {  	_ =	shalt  }

// kernel: sparse-core-data-format-call.cloned.1.call-start
scs
called_computation_lowered:
.L_overlay_start_0:
0x0: {  	s2 =	sld [smem:$0x3FD9]  }
0x1: {  	s3 =	sld [smem:$0x3FFE];
	_ =	sdelay $0x1  }
0x2: {  	s1 =	srdreg.scid  }
0x3: {  	s0 =	sand.u32 $0x1, s1  }
0x4: {  	s18 =	sshll.u32 s0, $0xA;
	s2 =	sadd.s32 s3, s2  }
0x5: {  	s2 =	sadd.s32 s2, s18  }
0x6: {  	[smem:$0x3FC6] =	sst s2  }
0x7: {  	_ = 	snop  }
0x8: {  	s2 =	sld [smem:$0x3FD0];
	(tm) =	ssettm $0x1  }
0x9: {  	s19 =	sld [smem:$0x3FFB];
	_ =	sdelay $0x3  }
0xa: {  	_ =	strace s19  }
0xb: {  	s3 =	sld [smem:$0x3FFC];
	_ =	sdelay $0x3  }
0xc: {  	_ =	strace s3  }
0xd: {  	s3 =	sld [smem:$0x3FFD];
	_ =	sdelay $0x3  }
0xe: {  	_ =	strace s3  }
0xf: {  	_ =	strace $0x8FFFFFFF  }
0x10: {  	s20 =	sld [smem:$0x3FDB];
	_ =	sdelay $0x1  }
0x11: {  	s4 =	simm.s32 $_scs_section_size  }
0x12: {  	s5 =	simm.s32 $_size__tile_overlayer_lowered;
	s6 =	simm.s32 $_tile_overlayer_lowered  }
0x13: {  	s23 =	simm.s32 $0x1BFF;
	s22 =	sshll.u32 s6, $0x1;
	s3 =	sadd.s32 s4, s20  }
0x14: {  	s7 =	simm.s32 $0x0;
	s21 =	sshll.u32 s5, $0x1;
	s5 =	sadd.s32 s22, s3  }
0x15: {  	[timem:s7], [sflag:s23] =	dma.local [hbm:s5], s21  }
0x16: {  	_ =	swait.ge [sflag:s23], s21  }
0x17: {  	s4 =	ssub.s32 $0x0, s21;
	[sflag:s23] =	ssyncset.done $0x0  }
0x18: {  	[sflag:s23] =	ssyncadd.s32 s4;
	_ =	sdelay $0x1  }
0x19: {  	s24 =	simm.s32 $0x1B8B  }
0x1a: {  	_ =	swait.ge [sflag:s24], $0x1  }
0x1b: {  	[sflag:s24] =	ssyncset.done $0x0  }
0x1c: {  	s26 =	simm.s32 $0x1B8E;
	s25 =	sld [smem:$0x3FFE];
	[sflag:s24] =	ssyncadd.s32 $0xFFFFFFFF  }
0x1d: {  	s27 =	simm.s32 $execute0_lowered;
	[smem:$0x3FD2] =	sst s26  }
0x1e: {  	s5 =	sshll.u32 s27, $0x1;
	_ =	strace $0x80000049;
	[dreg:$0x1] =	wrdreg $0xFFFFFFFF  }
0x1f: {  	s28 =	simm.s32 $_size_execute0_lowered;
	s3 =	sadd.s32 s3, s5;
	[dreg:$0x0] =	wrdreg $0x0  }
0x20: {  	s5 =	sshll.u32 s28, $0x1;
	[dreg:$0x2] =	wrdreg s3  }
0x21: {  	[dreg:$0x3] =	wrdreg s5  }
0x22: {  	[dreg:$0x4] =	wrdreg $0xC0  }
0x23: {  	_ =	task [dreg:s7], $0x5FFFF  }
0x24: {  	[dreg:$0x1] =	wrdreg $0xFFFFFFFF  }
0x25: {  	[dreg:$0x0] =	wrdreg $0x60  }
0x26: {  	[dreg:$0x2] =	wrdreg s25  }
0x27: {  	[dreg:$0x3] =	wrdreg s2  }
0x28: {  	[dreg:$0x4] =	wrdreg $0x9  }
0x29: {  	_ =	task.clear_ibuf [dreg:s7], $0x5FFFF;
	_ =	strace $0x90000049  }
0x2a: {  	s29 =	simm.s32 $0x9;
	_ =	strace $0x8000004B  }
0x2b: {  	_ =	swait.ge [sflag:s29], $0x1  }
0x2c: {  	[sflag:s29] =	ssyncadd.s32 $0xFFFFFFFF  }
0x2d: {  	_ =	strace $0x9000004B  }
0x2e: {  	_ =	sfence  }
0x2f: {  	s30 =	sld [smem:$0x0];
	_ =	sdelay $0x2  }
0x30: {  	s31 =	sshll.u32 s1, $0xD;
	s1 =	sshrl.u32 s1, $0x2  }
0x31: {  	s3 =	sand.u32 $0x4000, s31;
	s1 =	sadd.s32 s1, s30  }
0x32: {  	s0 =	sor.u32 s3, s0;
	s1 =	sshll.u32 s1, $0x11  }
0x33: {  	s0 =	sor.u32 s1, s0  }
0x34: {  	s0 =	sadd.s32 $0x8F2B, s0  }
0x35: {  	[sflag:s0] =	ssyncadd.remote.s32 $0x1  }
0x36: {  	_ =	sfence.sel $0xFFFF  }
0x37: {  	[dreg:$0x0] =	wrdreg $0xFFFFFFFF;
	(pc) =	sbr.abs _section_cstart, $3  }
0x38: {  	[dreg:$0x1] =	wrdreg $0xFFFFFFFF  }
0x39: {  	_ =	task.clear_ibuf [dreg:s7], $0x2FFFF;
	_ =	strace $0x9FFFFFFF  }
0x3a: {  	(tm) =	ssettm $0x7FFFFFFF  }
0x3b: {  	_ =	shalt  }
tec
execute0_lowered:
.L_overlay_start_1:
0x0: {  	(tag) =	ssettag $0x1  }
0x1: {  	s0 =	srdreg.scid  }
0x2: {  	s1 =	sshll.u32 s0, $0x4  }
0x3: {  	s5 =	rddreg [dreg:$0x0];
	s0 =	stileid.u32;
	s1 =	sand.u32 $0x10, s1  }
0x4: {  	s3 =	rddreg [dreg:$0x1];
	s31 =	simm.s32 $0x2;
	s4 =	sor.u32 s0, s1  }
0x5: {  	s13 =	simm.s32 $0x0;
	s9 =	simm.s32 $0x400;
	s2 =	sshll.u32 s4, $0x7  }
0x6: {  	s10 =	simm.s32 $0x8000;
	s14 =	simm.s32 $0x0;
	s6 =	ssub.s32 $0x1000, s2  }
0x7: {  	s1 =	rddreg [dreg:$0x2];
	_ =	strace $0x8000004A;
	s7 =	sand.u32 $0xF80, s6  }
0x8: {  	s4 =	sshll.u32 s4, $0xB;
	p0 =	sne.s32 s7, $0x0;
	s7 =	simm.s32 $0x1  }
.Ltmp0:
0x9: {  	s6 =	sshrl.u32 s6, $0xC;
	s7 =	simm.s32 @!p0 $0x0;
	(pc) =	sbr.rel .LBB1_1-.Ltmp0, $4  }
0xa: {  	s8 =	sadd.s32 s4, s5;
	s4 =	simm.s32 $0x1;
	s30 =	sadd.s32 s7, s6  }
0xb: {  	s11 =	simm.s32 $0x0;
	[sflag:s4] =	ssyncpa.u1 $0x0;
	s5 =	smul.u32 $0x19, s30  }
0xc: {  	s12 =	simm.s32 $0x0;
	[sflag:s31] =	ssyncpa.u1 $0x0;
	p0 =	por $0x0, $0x0  }
0xd: {  	s6 =	sadd.s32 $0xA00, s8;
	s7 =	sadd.s32 $0x10A00, s8;
	s8 =	sadd.s32 $0x1, s5  }
.LBB1_7:
0xe: {  	s15 =	sadd.s32 $0x2, s11  }
0xf: {  	p2 =	sgt.s32 s15, $0x31  }
0x10: {  	s15 =	simm.s32 @p2 $0x0;
	p2 =	sne.s32 s12, s8  }
.Ltmp1:
0x11: {  	p1 =	slt.u32 s12, $0x2;
	(pc) =	sbr.rel @!p2 .LBB1_8-.Ltmp1, $4  }
0x12: {  	s13 =	simm.s32 @!p1 $0x2  }
0x13: {  	s16 =	sadd.s32 $0x1, s12;
	s14 =	smov.u32 s11;
	_ =	swait.ge @!p1 [sflag:s13], $0x4000  }
0x14: {  	p0 =	por !p0, !p0;
	s12 =	smov.u32 s16;
	[sflag:s13] =	ssyncset.done @!p1 $0x0  }
0x15: {  	s11 =	smov.u32 s15;
	[sflag:s13] =	ssyncadd.s32 @!p1 $0xFFFFC000;
	s13 =	smov.u32 s2  }
.LBB1_1:
0x16: {  	p1 =	sge.u32 s12, s5  }
0x17: {  	s15 =	sxor.u32 @!p1 $0xFFFFFFFF, s12  }
0x18: {  	s16 =	sshll.u32 @!p1 s11, $0x10;
	s18 =	simm.s32 @!p1 $0x40;
	s15 =	sshll.u32 @!p1 s15, $0xE  }
0x19: {  	s19 =	simm.s32 @!p1 $0x80;
	s17 =	sadd.s32 @!p1 s16, s6;
	s15 =	sand.u32 @!p1 $0x4000, s15  }
0x1a: {  	[tilespmem:s15], [sflag:$0x1] =	stream.strided.gather @!p1 [hbm4b:s17+s18], $0x2000, s19, s18, $0x38;
	[tilespmem:$0x10100] =	vst v63  }
0x1b: {  	s31 =	sadd.s32 $0xFFFFFFFF, s12;
	s16 =	sadd.s32 @!p1 s16, s7;
	s15 =	sor.u32 @!p1 $0x2000, s15  }
0x1c: {  	[tilespmem:s15], [sflag:$0x1] =	stream.strided.gather @!p1 [hbm4b:s16+s18], $0x2000, s19, s18, $0x38;
	[tilespmem:$0x10100] =	vst v63  }
0x1d: {  	p1 =	sge.u32 s31, s5  }
.Ltmp2:
0x1e: {  	_ = 	snop;
	(pc) =	sbr.rel @p1 .LBB1_7-.Ltmp2, $1  }
0x1f: {  	_ =	sdelay $0x3  }
0x20: {  	s15 =	simm.s32 $0x1;
	s17 =	sand.u32 $0x1, s12  }
0x21: {  	_ =	swait.ge [sflag:s4], $0x4000;
	s15 =	simm.s32 @!p0 $0x0;
	s17 =	smul.u32 $0x10200, s17  }
0x22: {  	p2 =	por $0x1, $0x1;
	[sflag:s4] =	ssyncset.done $0x0;
	s16 =	smul.u32 $0x10200, s15  }
0x23: {  	s18 =	sshll.u32 s15, $0x10;
	[sflag:s4] =	ssyncadd.s32 $0xFFFFC000;
	s30 =	sshrl.u32 s17, $0x2  }
0x24: {  	s31 =	sshrl.u32 s18, $0x2;
	s18 =	simm.s32 $0x0;
	s16 =	sshrl.u32 s16, $0x2  }
0x25: {  	s15 =	sor.u32 $0x8000, s30;
	s17 =	sadd.s32 $0x20, s31;
	s16 =	sor.u32 $0x8000, s16  }
.LBB1_3:
0x26: {  	s19 =	sshll.u32 s18, $0xD  }
0x27: {  	s19 =	sand.u32 $0x3FFFE000, s19  }
0x28: {  	s21 =	sadd.s32 s19, s17  }
0x29: {  	s31 =	smul.u32 $0x8100, s18;
	v3 =	vld [tilespmem:s21+$0x10]  }
0x2a: {  	v1 =	vld [tilespmem:s21+$0xFFFFFFF0]  }
0x2b: {  	s18 =	sshra.s32 s31, $0x2;
	v0 =	vld [tilespmem:s21+$0x0]  }
0x2c: {  	s18 =	sadd.s32 s18, s16;
	v2 =	vld [tilespmem:s21+$0xFFFFFFE0]  }
0x2d: {  	s19 =	sadd.s32 $0x0, s18  }
0x2e: {  	p1 =	por p2, p2;
	s20 =	simm.s32 $0x4;
	s21 =	sadd.s32 $0x40, s21;
	[tilespmem:s19+$0x1830 ss:$0x81] =	vst.msk $0xffff, v3  }
.LBB1_4:
0x2f: {  	v3 =	vld [tilespmem:s21+$0x10];
	p2 =	sne.s32 s20, $0x1FC;
	[tilespmem:s19+$0x810 ss:$0x81] =	vst.msk $0xffff, v1;
	s22 =	smov.u32 s20;
	s20 =	sadd.s32 $0x4, s20  }
.Ltmp3:
0x30: {  	v1 =	vld [tilespmem:s21+$0xFFFFFFF0];
	[tilespmem:s19+$0x1020 ss:$0x81] =	vst.msk $0xffff, v0;
	(pc) =	sbr.rel @p2 .LBB1_4-.Ltmp3, $4  }
0x31: {  	v0 =	vld [tilespmem:s21+$0x0];
	[tilespmem:s19+$0x0 ss:$0x81] =	vst.msk $0xffff, v2  }
0x32: {  	s19 =	sshra.s32 s22, $0x2;
	v2 =	vld [tilespmem:s21+$0xFFFFFFE0]  }
0x33: {  	s19 =	sadd.s32 s19, s18  }
0x34: {  	s21 =	sadd.s32 $0x40, s21;
	[tilespmem:s19+$0x1830 ss:$0x81] =	vst.msk $0xffff, v3  }
.Ltmp4:
0x35: {  	(pc) =	sbr.rel @p1 .LBB1_3-.Ltmp4, $4  }
0x36: {  	_ = 	snop  }
0x37: {  	[tilespmem:s19+$0x810 ss:$0x81] =	vst.msk $0xffff, v1  }
0x38: {  	[tilespmem:s19+$0x1020 ss:$0x81] =	vst.msk $0xffff, v0  }
0x39: {  	s18 =	simm.s32 $0x1;
	p2 =	por $0x0, $0x0;
	[tilespmem:s19+$0x0 ss:$0x81] =	vst.msk $0xffff, v2  }
.Ltmp5:
0x3a: {  	(pc) =	sbr.rel .LBB1_7-.Ltmp5, $4  }
0x3b: {  	s14 =	sshll.u32 s14, $0xF  }
0x3c: {  	s14 =	sadd.s32 s3, s14  }
0x3d: {  	s13 =	sadd.s32 s13, s14  }
0x3e: {  	[hbm4b:s13+s9] =	stream.strided.scatter [tilespmem:s15], [sflag:$0x2], $0x4000, s10, s9, $0x20;
	[tilespmem:$0x10100] =	vst v63  }
.LBB1_8:
0x3f: {  	_ =	sfence.sel $0x180000  }
0x40: {  	s2 =	simm.s32 $0x1;
	[bflag:$0x0] =	sbarrier.arrive $0xFFFF  }
0x41: {  	s31 =	simm.s32 $0x2;
	[sflag:s2] =	ssyncpa.u1 $0x1  }
0x42: {  	[sflag:s31] =	ssyncpa.u1 $0x1  }
0x43: {  	p0 =	sne.s32 s0, $0x0;
	_ =	strace $0x9000004A  }
0x44: {  	s0 =	sadd.s32 @!p0 $0x100000, s1;
	[bflag:$0x2] =	sbarrier.arrive $0xFFFF  }
0x45: {  	[sflag:s0] =	ssyncadd.tile.s32 @!p0 $0x1;
	_ =	shalt  }
.Lfunc_end1:
_tile_overlayer_lowered:
.L_overlay_start_2:
0x46: {  	(tag) =	ssettag $0x2  }
0x47: {  	s0 =	rddreg [dreg:$0x0];
	s2 =	stileid.u32  }
0x48: {  	s1 =	rddreg [dreg:$0x1];
	p0 =	sne.s32 s2, $0x0  }
0x49: {  	s3 =	rddreg [dreg:$0x2];
	[bflag:$0x3] =	sbarrier.arrive $0xFFFF;
	s2 =	simm.s32 @!p0 $0x1C01  }
0x4a: {  	[timem:s3], [sflag:s2] =	dma.local @!p0 [hbm:s0], s1  }
0x4b: {  	s0 =	simm.s32 @!p0 $0x1  }
0x4c: {  	_ =	swait.ge @!p0 [sflag:s0], s1  }
0x4d: {  	s1 =	ssub.s32 @!p0 $0x0, s1;
	[sflag:s0] =	ssyncset.done @!p0 $0x0  }
0x4e: {  	[sflag:s0] =	ssyncadd.s32 @!p0 s1  }
0x4f: {  	[bflag:$0x3] =	sbarrier.arrive $0xFFFF  }
0x50: {  	_ =	shalt  }

</sc_bundles>
